<compile_context>
chip_gen: v7x
topology: tpu7x:2x2x1
jax: 0.10.2.dev20260603
libtpu: 0.0.44.dev20260713+nightly
codegen_flags: <defaults>
</compile_context>

<pallas_src>
import functools

import jax
import jax.numpy as jnp
from jax import lax
from jax.experimental import pallas as pl
from jax.experimental.pallas import tpu as pltpu
from jax.experimental.pallas import tpu_sc as plsc

VOCAB = 100000
FRONT = 256
EMBED = 64
HALF = VOCAB // 2

_NC = 2
_NS = 16
_NW = _NC * _NS


def _table_w1(table, W1, b1):
    BM = 5000
    grid = (HALF // BM,)

    def body(xlo_ref, xhi_ref, w1_ref, b1_ref, o_ref):
        def f(x):
            return lax.dot_general(x, w1_ref[:], (((1,), (1,)), ((), ())),
                                   preferred_element_type=jnp.float32) + b1_ref[:]
        o_ref[:, 0:EMBED] = f(xlo_ref[:])
        o_ref[:, EMBED:2 * EMBED] = f(xhi_ref[:])

    return pl.pallas_call(
        body,
        grid=grid,
        in_specs=[
            pl.BlockSpec((BM, FRONT), lambda i: (i, 0)),
            pl.BlockSpec((BM, FRONT), lambda i: (i + HALF // BM, 0)),
            pl.BlockSpec((EMBED, FRONT), lambda i: (0, 0)),
            pl.BlockSpec((1, EMBED), lambda i: (0, 0)),
        ],
        out_specs=pl.BlockSpec((BM, 2 * EMBED), lambda i: (i, 0)),
        out_shape=jax.ShapeDtypeStruct((HALF, 2 * EMBED), jnp.float32),
    )(table, table, W1, b1.reshape(1, EMBED))


def _sc_gather_wide(t1, idx_lo, idx_hi):
    lines = idx_lo.shape[0]
    l_per_w = lines // _NW
    C = min(1600, l_per_w)
    n_sub = l_per_w // C

    mesh = plsc.VectorSubcoreMesh(core_axis_name="c", subcore_axis_name="s")

    @functools.partial(
        pl.kernel,
        mesh=mesh,
        out_type=jax.ShapeDtypeStruct((lines, 2 * EMBED), jnp.float32),
        scratch_types=[
            pltpu.VMEM((C,), jnp.int32),
            pltpu.VMEM((C, EMBED), jnp.float32),
            pltpu.SemaphoreType.DMA,
        ],
        compiler_params=pltpu.CompilerParams(use_tc_tiling_on_sc=False),
    )
    def k(t1_hbm, ilo_hbm, ihi_hbm, g_hbm, idx_v, rows_v, sem):
        wid = lax.axis_index("s") * _NC + lax.axis_index("c")
        lbase = wid * l_per_w
        for half, src in ((0, ilo_hbm), (1, ihi_hbm)):
            for c in range(n_sub):
                line0 = lbase + c * C
                pltpu.sync_copy(src.at[pl.ds(line0, C)], idx_v)
                pltpu.async_copy(t1_hbm.at[idx_v], rows_v, sem).wait()
                pltpu.sync_copy(
                    rows_v,
                    g_hbm.at[pl.ds(line0, C), pl.ds(half * EMBED, EMBED)])

    return k(t1, idx_lo, idx_hi)


def _final_tc_part(g_part, W2, b2, B, L, Lp, s, prev):
    BH = B // 2
    P = 5

    def body(x_ref, w2_ref, b2_ref, *rest):
        o_ref = rest[-1]
        x = x_ref[:]
        g = x * 0.5 * (1.0 + lax.erf(x * (2.0 ** -0.5)))
        def f(gh):
            return lax.dot_general(w2_ref[:], gh, (((1,), (1,)), ((), ())),
                                   preferred_element_type=jnp.float32) + b2_ref[:]
        zlo = f(g[:, 0:EMBED])
        zhi = f(g[:, EMBED:2 * EMBED])
        for p in range(P):
            o_ref[p, :, 0:BH] = zlo[:, p * BH:(p + 1) * BH]
            o_ref[p, :, BH:B] = zhi[:, p * BH:(p + 1) * BH]

    in_specs = [
        pl.BlockSpec((P * BH, 2 * EMBED), lambda l: (l, 0)),
        pl.BlockSpec((EMBED, EMBED), lambda l: (0, 0)),
        pl.BlockSpec((EMBED, 1), lambda l: (0, 0)),
    ]
    args = [g_part, W2, b2.reshape(EMBED, 1)]
    io_alias = {}
    if prev is not None:
        in_specs.append(pl.BlockSpec(memory_space=pl.ANY))
        args.append(prev)
        io_alias = {3: 0}
    return pl.pallas_call(
        body,
        grid=(Lp // P,),
        in_specs=in_specs,
        out_specs=pl.BlockSpec((P, EMBED, B),
                               lambda l, s=s: (l + s * (Lp // P), 0, 0)),
        out_shape=jax.ShapeDtypeStruct((L, EMBED, B), jnp.float32),
        input_output_aliases=io_alias,
    )(*args)


def kernel(idxs, table, W1, b1, W2, b2):
    B, L = idxs.shape
    t1w = _table_w1(table, W1, b1)
    t1 = t1w.reshape(VOCAB, EMBED)
    v = idxs.astype(jnp.int32)
    r = 2 * jnp.where(v < HALF, v, v - HALF) + (v >= HALF).astype(jnp.int32)
    rT = r.T
    idx_lo = rT[:, 0:B // 2].reshape(-1)
    idx_hi = rT[:, B // 2:B].reshape(-1)
    NSPLIT = 2
    Lp = L // NSPLIT
    lines_p = Lp * (B // 2)
    out_phys = None
    for s in range(NSPLIT):
        sl = slice(s * lines_p, (s + 1) * lines_p)
        g_s = _sc_gather_wide(t1, idx_lo[sl], idx_hi[sl])
        out_phys = _final_tc_part(g_s, W2, b2, B, L, Lp, s, out_phys)
    return jnp.transpose(out_phys, (2, 0, 1))

# --- scband reference (transcript-rebuilt; emitter-appended) ---
"""Pipeline reference for scband-unified-embedding-36155034698238 (READ-ONLY COPY).

The authoritative reference and input builder live on the scoring server;
editing this copy changes nothing except your own understanding.
"""

import jax, jax.numpy as jnp
import numpy as np

VOCAB = 100000
EMBED = 64
FRONT = 256  # embed_dim * front_embed_mul = 64 * 4
B = 4096
L = 50


def setup_inputs(seed: int = 0) -> dict:
    key = jax.random.key(seed)
    k1, k2, k3, k4 = jax.random.split(key, 4)
    idxs = jax.random.randint(k1, (B, L), 0, VOCAB, dtype=jnp.int64 if jax.config.jax_enable_x64 else jnp.int32)
    table = jax.random.normal(k2, (VOCAB, FRONT), dtype=jnp.float32) * 0.02
    W1 = jax.random.normal(k3, (EMBED, FRONT), dtype=jnp.float32) * (1.0 / np.sqrt(FRONT))
    b1 = jnp.zeros((EMBED,), dtype=jnp.float32)
    W2 = jax.random.normal(k4, (EMBED, EMBED), dtype=jnp.float32) * (1.0 / np.sqrt(EMBED))
    b2 = jnp.zeros((EMBED,), dtype=jnp.float32)
    return {"idxs": idxs, "table": table, "W1": W1, "b1": b1, "W2": W2, "b2": b2}


def reference(idxs, table, W1, b1, W2, b2):
    # UnifiedEmbedding forward with defaults: integration1_5=None, integration2=True,
    # ln=identity, gelu=False (emb_activation identity).
    # The allow_reorder dedup path is mathematically identical to the direct path:
    #   x = tok_embed(idxs); x = integration1(x); x = integration2(gelu(x))
    x = jnp.take(table, idxs, axis=0)          # [B, L, FRONT] embedding gather
    x = x @ W1.T + b1                           # integration1: FRONT -> EMBED
    x = jax.nn.gelu(x, approximate=False) @ W2.T + b2  # integration2 with F.gelu (exact)
    return x                                    # ln is identity

if __name__ == "__main__":
    import jax
    _d = setup_inputs()
    print(jax.jit(kernel)(*tuple(_d.values())))

</pallas_src>

<mosaic_0001>
#map = affine_map<(d0, d1) -> (0, 0)>
#map1 = affine_map<(d0, d1) -> (0)>
module attributes {stable_mosaic.version = 14 : i64} {
  func.func @k(%arg0: i32, %arg1: i32, %arg2: memref<100000x64xf32, #tpu.memory_space<hbm>>, %arg3: memref<51200xi32, #tpu.memory_space<hbm>>, %arg4: memref<51200xi32, #tpu.memory_space<hbm>>, %arg5: memref<51200x128xf32, #tpu.memory_space<hbm>>, %arg6: memref<1600xi32, #tpu.memory_space<vmem>>, %arg7: memref<1600x64xf32, #tpu.memory_space<vmem>>, %arg8: memref<!tpu.dma_semaphore, #tpu.memory_space<semaphore_mem>>) attributes {dimension_semantics = [#tpu.dimension_semantics<core_parallel>, #tpu.dimension_semantics<subcore_parallel>], iteration_bounds = array<i64: 2, 16>, scalar_prefetch = 0 : i64, scratch_operands = 3 : i64, tpu.core_type = #tpu.core_type<sc_vector_subcore>, window_params = [{transform_indices = #map}, {transform_indices = #map1}, {transform_indices = #map1}, {transform_indices = #map}]} {
    %mul3A = arith.constant 2 : i32
    %mul3A_0 = arith.muli %arg1, %mul3A : i32
    %add3A = arith.addi %mul3A_0, %arg0 : i32
    %mul3A_1 = arith.constant 1600 : i32
    %mul3A_2 = arith.muli %add3A, %mul3A_1 : i32
    %add3A_3 = arith.constant 0 : i32
    %add3A_4 = arith.addi %mul3A_2, %add3A_3 : i32
    "tpu.region"() ({
      %run_scoped3A = tpu.sem_alloc : memref<!tpu.dma_semaphore, #tpu.memory_space<semaphore_mem>>
      %dma_start3A_17 = tpu.memref_slice %arg3[%add3A_4] : memref<51200xi32, #tpu.memory_space<hbm>> -> memref<1600xi32, #tpu.memory_space<hbm>>
      %dma_start3A_18 = tpu.memref_slice %arg3[%add3A_4] : memref<51200xi32, #tpu.memory_space<hbm>> -> memref<1600xi32, #tpu.memory_space<hbm>>
      tpu.enqueue_dma source(%dma_start3A_18 : memref<1600xi32, #tpu.memory_space<hbm>>) target(%arg6 : memref<1600xi32, #tpu.memory_space<vmem>>) target_semaphore(%run_scoped3A : memref<!tpu.dma_semaphore, #tpu.memory_space<semaphore_mem>>)
      %dma_wait3A_19 = tpu.memref_slice %arg3[%add3A_4] : memref<51200xi32, #tpu.memory_space<hbm>> -> memref<1600xi32, #tpu.memory_space<hbm>>
      %dma_wait3A_20 = tpu.memref_slice %arg3[%add3A_4] : memref<51200xi32, #tpu.memory_space<hbm>> -> memref<1600xi32, #tpu.memory_space<hbm>>
      tpu.wait_dma2 semaphore(%run_scoped3A : memref<!tpu.dma_semaphore, #tpu.memory_space<semaphore_mem>>) src(%dma_wait3A_20 : memref<1600xi32, #tpu.memory_space<hbm>>) dst(%arg6 : memref<1600xi32, #tpu.memory_space<vmem>>)
      tpu.yield
    }) : () -> ()
    %dma_start3A = arith.constant 0 : i32
    %dma_start3A_5 = arith.constant 0 : i32
    %dma_start3A_6 = tpu.memref_slice %arg2[%dma_start3A, %dma_start3A_5] : memref<100000x64xf32, #tpu.memory_space<hbm>> -> memref<100000x64xf32, #tpu.memory_space<hbm>>
    tpu.enqueue_indirect_dma source(%dma_start3A_6 : memref<100000x64xf32, #tpu.memory_space<hbm>>) target(%arg7 : memref<1600x64xf32, #tpu.memory_space<vmem>>) offsets(%arg6 : memref<1600xi32, #tpu.memory_space<vmem>>) semaphore(%arg8 : memref<!tpu.dma_semaphore, #tpu.memory_space<semaphore_mem>>)
    %dma_wait3A = arith.constant 0 : i32
    %dma_wait3A_7 = arith.constant 0 : i32
    %dma_wait3A_8 = tpu.memref_slice %arg2[%dma_wait3A, %dma_wait3A_7] : memref<100000x64xf32, #tpu.memory_space<hbm>> -> memref<100000x64xf32, #tpu.memory_space<hbm>>
    tpu.wait_indirect_dma semaphore(%arg8 : memref<!tpu.dma_semaphore, #tpu.memory_space<semaphore_mem>>) src(%dma_wait3A_8 : memref<100000x64xf32, #tpu.memory_space<hbm>>) dst(%arg7 : memref<1600x64xf32, #tpu.memory_space<vmem>>)
    "tpu.region"() ({
      %run_scoped3A = tpu.sem_alloc : memref<!tpu.dma_semaphore, #tpu.memory_space<semaphore_mem>>
      %dma_start3A_17 = arith.constant 0 : i32
      %dma_start3A_18 = tpu.memref_slice %arg5[%add3A_4, %dma_start3A_17] : memref<51200x128xf32, #tpu.memory_space<hbm>> -> memref<1600x64xf32, #tpu.memory_space<hbm>>
      %dma_start3A_19 = arith.constant 0 : i32
      %dma_start3A_20 = tpu.memref_slice %arg5[%add3A_4, %dma_start3A_19] : memref<51200x128xf32, #tpu.memory_space<hbm>> -> memref<1600x64xf32, #tpu.memory_space<hbm>>
      tpu.enqueue_dma source(%arg7 : memref<1600x64xf32, #tpu.memory_space<vmem>>) target(%dma_start3A_20 : memref<1600x64xf32, #tpu.memory_space<hbm>>) target_semaphore(%run_scoped3A : memref<!tpu.dma_semaphore, #tpu.memory_space<semaphore_mem>>)
      %dma_wait3A_21 = arith.constant 0 : i32
      %dma_wait3A_22 = tpu.memref_slice %arg5[%add3A_4, %dma_wait3A_21] : memref<51200x128xf32, #tpu.memory_space<hbm>> -> memref<1600x64xf32, #tpu.memory_space<hbm>>
      %dma_wait3A_23 = arith.constant 0 : i32
      %dma_wait3A_24 = tpu.memref_slice %arg5[%add3A_4, %dma_wait3A_23] : memref<51200x128xf32, #tpu.memory_space<hbm>> -> memref<1600x64xf32, #tpu.memory_space<hbm>>
      tpu.wait_dma2 semaphore(%run_scoped3A : memref<!tpu.dma_semaphore, #tpu.memory_space<semaphore_mem>>) src(%arg7 : memref<1600x64xf32, #tpu.memory_space<vmem>>) dst(%dma_wait3A_24 : memref<1600x64xf32, #tpu.memory_space<hbm>>)
      tpu.yield
    }) : () -> ()
    %add3A_9 = arith.constant 0 : i32
    %add3A_10 = arith.addi %mul3A_2, %add3A_9 : i32
    "tpu.region"() ({
      %run_scoped3A = tpu.sem_alloc : memref<!tpu.dma_semaphore, #tpu.memory_space<semaphore_mem>>
      %dma_start3A_17 = tpu.memref_slice %arg4[%add3A_10] : memref<51200xi32, #tpu.memory_space<hbm>> -> memref<1600xi32, #tpu.memory_space<hbm>>
      %dma_start3A_18 = tpu.memref_slice %arg4[%add3A_10] : memref<51200xi32, #tpu.memory_space<hbm>> -> memref<1600xi32, #tpu.memory_space<hbm>>
      tpu.enqueue_dma source(%dma_start3A_18 : memref<1600xi32, #tpu.memory_space<hbm>>) target(%arg6 : memref<1600xi32, #tpu.memory_space<vmem>>) target_semaphore(%run_scoped3A : memref<!tpu.dma_semaphore, #tpu.memory_space<semaphore_mem>>)
      %dma_wait3A_19 = tpu.memref_slice %arg4[%add3A_10] : memref<51200xi32, #tpu.memory_space<hbm>> -> memref<1600xi32, #tpu.memory_space<hbm>>
      %dma_wait3A_20 = tpu.memref_slice %arg4[%add3A_10] : memref<51200xi32, #tpu.memory_space<hbm>> -> memref<1600xi32, #tpu.memory_space<hbm>>
      tpu.wait_dma2 semaphore(%run_scoped3A : memref<!tpu.dma_semaphore, #tpu.memory_space<semaphore_mem>>) src(%dma_wait3A_20 : memref<1600xi32, #tpu.memory_space<hbm>>) dst(%arg6 : memref<1600xi32, #tpu.memory_space<vmem>>)
      tpu.yield
    }) : () -> ()
    %dma_start3A_11 = arith.constant 0 : i32
    %dma_start3A_12 = arith.constant 0 : i32
    %dma_start3A_13 = tpu.memref_slice %arg2[%dma_start3A_11, %dma_start3A_12] : memref<100000x64xf32, #tpu.memory_space<hbm>> -> memref<100000x64xf32, #tpu.memory_space<hbm>>
    tpu.enqueue_indirect_dma source(%dma_start3A_13 : memref<100000x64xf32, #tpu.memory_space<hbm>>) target(%arg7 : memref<1600x64xf32, #tpu.memory_space<vmem>>) offsets(%arg6 : memref<1600xi32, #tpu.memory_space<vmem>>) semaphore(%arg8 : memref<!tpu.dma_semaphore, #tpu.memory_space<semaphore_mem>>)
    %dma_wait3A_14 = arith.constant 0 : i32
    %dma_wait3A_15 = arith.constant 0 : i32
    %dma_wait3A_16 = tpu.memref_slice %arg2[%dma_wait3A_14, %dma_wait3A_15] : memref<100000x64xf32, #tpu.memory_space<hbm>> -> memref<100000x64xf32, #tpu.memory_space<hbm>>
    tpu.wait_indirect_dma semaphore(%arg8 : memref<!tpu.dma_semaphore, #tpu.memory_space<semaphore_mem>>) src(%dma_wait3A_16 : memref<100000x64xf32, #tpu.memory_space<hbm>>) dst(%arg7 : memref<1600x64xf32, #tpu.memory_space<vmem>>)
    "tpu.region"() ({
      %run_scoped3A = tpu.sem_alloc : memref<!tpu.dma_semaphore, #tpu.memory_space<semaphore_mem>>
      %dma_start3A_17 = arith.constant 64 : i32
      %dma_start3A_18 = tpu.memref_slice %arg5[%add3A_10, %dma_start3A_17] : memref<51200x128xf32, #tpu.memory_space<hbm>> -> memref<1600x64xf32, #tpu.memory_space<hbm>>
      %dma_start3A_19 = arith.constant 64 : i32
      %dma_start3A_20 = tpu.memref_slice %arg5[%add3A_10, %dma_start3A_19] : memref<51200x128xf32, #tpu.memory_space<hbm>> -> memref<1600x64xf32, #tpu.memory_space<hbm>>
      tpu.enqueue_dma source(%arg7 : memref<1600x64xf32, #tpu.memory_space<vmem>>) target(%dma_start3A_20 : memref<1600x64xf32, #tpu.memory_space<hbm>>) target_semaphore(%run_scoped3A : memref<!tpu.dma_semaphore, #tpu.memory_space<semaphore_mem>>)
      %dma_wait3A_21 = arith.constant 64 : i32
      %dma_wait3A_22 = tpu.memref_slice %arg5[%add3A_10, %dma_wait3A_21] : memref<51200x128xf32, #tpu.memory_space<hbm>> -> memref<1600x64xf32, #tpu.memory_space<hbm>>
      %dma_wait3A_23 = arith.constant 64 : i32
      %dma_wait3A_24 = tpu.memref_slice %arg5[%add3A_10, %dma_wait3A_23] : memref<51200x128xf32, #tpu.memory_space<hbm>> -> memref<1600x64xf32, #tpu.memory_space<hbm>>
      tpu.wait_dma2 semaphore(%run_scoped3A : memref<!tpu.dma_semaphore, #tpu.memory_space<semaphore_mem>>) src(%arg7 : memref<1600x64xf32, #tpu.memory_space<vmem>>) dst(%dma_wait3A_24 : memref<1600x64xf32, #tpu.memory_space<hbm>>)
      tpu.yield
    }) : () -> ()
    return
  }
}

#map = affine_map<(d0, d1) -> (0, 0)>
#map1 = affine_map<(d0, d1) -> (0)>
module attributes {stable_mosaic.version = 14 : i64} {
  func.func @k(%arg0: i32, %arg1: i32, %arg2: memref<100000x64xf32, #tpu.memory_space<hbm>>, %arg3: memref<51200xi32, #tpu.memory_space<hbm>>, %arg4: memref<51200xi32, #tpu.memory_space<hbm>>, %arg5: memref<51200x128xf32, #tpu.memory_space<hbm>>, %arg6: memref<1600xi32, #tpu.memory_space<vmem>>, %arg7: memref<1600x64xf32, #tpu.memory_space<vmem>>, %arg8: memref<!tpu.dma_semaphore, #tpu.memory_space<semaphore_mem>>) attributes {dimension_semantics = [#tpu.dimension_semantics<core_parallel>, #tpu.dimension_semantics<subcore_parallel>], iteration_bounds = array<i64: 2, 16>, scalar_prefetch = 0 : i64, scratch_operands = 3 : i64, tpu.core_type = #tpu.core_type<sc_vector_subcore>, window_params = [{transform_indices = #map}, {transform_indices = #map1}, {transform_indices = #map1}, {transform_indices = #map}]} {
    %mul3A = arith.constant 2 : i32
    %mul3A_0 = arith.muli %arg1, %mul3A : i32
    %add3A = arith.addi %mul3A_0, %arg0 : i32
    %mul3A_1 = arith.constant 1600 : i32
    %mul3A_2 = arith.muli %add3A, %mul3A_1 : i32
    %add3A_3 = arith.constant 0 : i32
    %add3A_4 = arith.addi %mul3A_2, %add3A_3 : i32
    "tpu.region"() ({
      %run_scoped3A = tpu.sem_alloc : memref<!tpu.dma_semaphore, #tpu.memory_space<semaphore_mem>>
      %dma_start3A_17 = tpu.memref_slice %arg3[%add3A_4] : memref<51200xi32, #tpu.memory_space<hbm>> -> memref<1600xi32, #tpu.memory_space<hbm>>
      %dma_start3A_18 = tpu.memref_slice %arg3[%add3A_4] : memref<51200xi32, #tpu.memory_space<hbm>> -> memref<1600xi32, #tpu.memory_space<hbm>>
      tpu.enqueue_dma source(%dma_start3A_18 : memref<1600xi32, #tpu.memory_space<hbm>>) target(%arg6 : memref<1600xi32, #tpu.memory_space<vmem>>) target_semaphore(%run_scoped3A : memref<!tpu.dma_semaphore, #tpu.memory_space<semaphore_mem>>)
      %dma_wait3A_19 = tpu.memref_slice %arg3[%add3A_4] : memref<51200xi32, #tpu.memory_space<hbm>> -> memref<1600xi32, #tpu.memory_space<hbm>>
      %dma_wait3A_20 = tpu.memref_slice %arg3[%add3A_4] : memref<51200xi32, #tpu.memory_space<hbm>> -> memref<1600xi32, #tpu.memory_space<hbm>>
      tpu.wait_dma2 semaphore(%run_scoped3A : memref<!tpu.dma_semaphore, #tpu.memory_space<semaphore_mem>>) src(%dma_wait3A_20 : memref<1600xi32, #tpu.memory_space<hbm>>) dst(%arg6 : memref<1600xi32, #tpu.memory_space<vmem>>)
      tpu.yield
    }) : () -> ()
    %dma_start3A = arith.constant 0 : i32
    %dma_start3A_5 = arith.constant 0 : i32
    %dma_start3A_6 = tpu.memref_slice %arg2[%dma_start3A, %dma_start3A_5] : memref<100000x64xf32, #tpu.memory_space<hbm>> -> memref<100000x64xf32, #tpu.memory_space<hbm>>
    tpu.enqueue_indirect_dma source(%dma_start3A_6 : memref<100000x64xf32, #tpu.memory_space<hbm>>) target(%arg7 : memref<1600x64xf32, #tpu.memory_space<vmem>>) offsets(%arg6 : memref<1600xi32, #tpu.memory_space<vmem>>) semaphore(%arg8 : memref<!tpu.dma_semaphore, #tpu.memory_space<semaphore_mem>>)
    %dma_wait3A = arith.constant 0 : i32
    %dma_wait3A_7 = arith.constant 0 : i32
    %dma_wait3A_8 = tpu.memref_slice %arg2[%dma_wait3A, %dma_wait3A_7] : memref<100000x64xf32, #tpu.memory_space<hbm>> -> memref<100000x64xf32, #tpu.memory_space<hbm>>
    tpu.wait_indirect_dma semaphore(%arg8 : memref<!tpu.dma_semaphore, #tpu.memory_space<semaphore_mem>>) src(%dma_wait3A_8 : memref<100000x64xf32, #tpu.memory_space<hbm>>) dst(%arg7 : memref<1600x64xf32, #tpu.memory_space<vmem>>)
    "tpu.region"() ({
      %run_scoped3A = tpu.sem_alloc : memref<!tpu.dma_semaphore, #tpu.memory_space<semaphore_mem>>
      %dma_start3A_17 = arith.constant 0 : i32
      %dma_start3A_18 = tpu.memref_slice %arg5[%add3A_4, %dma_start3A_17] : memref<51200x128xf32, #tpu.memory_space<hbm>> -> memref<1600x64xf32, #tpu.memory_space<hbm>>
      %dma_start3A_19 = arith.constant 0 : i32
      %dma_start3A_20 = tpu.memref_slice %arg5[%add3A_4, %dma_start3A_19] : memref<51200x128xf32, #tpu.memory_space<hbm>> -> memref<1600x64xf32, #tpu.memory_space<hbm>>
      tpu.enqueue_dma source(%arg7 : memref<1600x64xf32, #tpu.memory_space<vmem>>) target(%dma_start3A_20 : memref<1600x64xf32, #tpu.memory_space<hbm>>) target_semaphore(%run_scoped3A : memref<!tpu.dma_semaphore, #tpu.memory_space<semaphore_mem>>)
      %dma_wait3A_21 = arith.constant 0 : i32
      %dma_wait3A_22 = tpu.memref_slice %arg5[%add3A_4, %dma_wait3A_21] : memref<51200x128xf32, #tpu.memory_space<hbm>> -> memref<1600x64xf32, #tpu.memory_space<hbm>>
      %dma_wait3A_23 = arith.constant 0 : i32
      %dma_wait3A_24 = tpu.memref_slice %arg5[%add3A_4, %dma_wait3A_23] : memref<51200x128xf32, #tpu.memory_space<hbm>> -> memref<1600x64xf32, #tpu.memory_space<hbm>>
      tpu.wait_dma2 semaphore(%run_scoped3A : memref<!tpu.dma_semaphore, #tpu.memory_space<semaphore_mem>>) src(%arg7 : memref<1600x64xf32, #tpu.memory_space<vmem>>) dst(%dma_wait3A_24 : memref<1600x64xf32, #tpu.memory_space<hbm>>)
      tpu.yield
    }) : () -> ()
    %add3A_9 = arith.constant 0 : i32
    %add3A_10 = arith.addi %mul3A_2, %add3A_9 : i32
    "tpu.region"() ({
      %run_scoped3A = tpu.sem_alloc : memref<!tpu.dma_semaphore, #tpu.memory_space<semaphore_mem>>
      %dma_start3A_17 = tpu.memref_slice %arg4[%add3A_10] : memref<51200xi32, #tpu.memory_space<hbm>> -> memref<1600xi32, #tpu.memory_space<hbm>>
      %dma_start3A_18 = tpu.memref_slice %arg4[%add3A_10] : memref<51200xi32, #tpu.memory_space<hbm>> -> memref<1600xi32, #tpu.memory_space<hbm>>
      tpu.enqueue_dma source(%dma_start3A_18 : memref<1600xi32, #tpu.memory_space<hbm>>) target(%arg6 : memref<1600xi32, #tpu.memory_space<vmem>>) target_semaphore(%run_scoped3A : memref<!tpu.dma_semaphore, #tpu.memory_space<semaphore_mem>>)
      %dma_wait3A_19 = tpu.memref_slice %arg4[%add3A_10] : memref<51200xi32, #tpu.memory_space<hbm>> -> memref<1600xi32, #tpu.memory_space<hbm>>
      %dma_wait3A_20 = tpu.memref_slice %arg4[%add3A_10] : memref<51200xi32, #tpu.memory_space<hbm>> -> memref<1600xi32, #tpu.memory_space<hbm>>
      tpu.wait_dma2 semaphore(%run_scoped3A : memref<!tpu.dma_semaphore, #tpu.memory_space<semaphore_mem>>) src(%dma_wait3A_20 : memref<1600xi32, #tpu.memory_space<hbm>>) dst(%arg6 : memref<1600xi32, #tpu.memory_space<vmem>>)
      tpu.yield
    }) : () -> ()
    %dma_start3A_11 = arith.constant 0 : i32
    %dma_start3A_12 = arith.constant 0 : i32
    %dma_start3A_13 = tpu.memref_slice %arg2[%dma_start3A_11, %dma_start3A_12] : memref<100000x64xf32, #tpu.memory_space<hbm>> -> memref<100000x64xf32, #tpu.memory_space<hbm>>
    tpu.enqueue_indirect_dma source(%dma_start3A_13 : memref<100000x64xf32, #tpu.memory_space<hbm>>) target(%arg7 : memref<1600x64xf32, #tpu.memory_space<vmem>>) offsets(%arg6 : memref<1600xi32, #tpu.memory_space<vmem>>) semaphore(%arg8 : memref<!tpu.dma_semaphore, #tpu.memory_space<semaphore_mem>>)
    %dma_wait3A_14 = arith.constant 0 : i32
    %dma_wait3A_15 = arith.constant 0 : i32
    %dma_wait3A_16 = tpu.memref_slice %arg2[%dma_wait3A_14, %dma_wait3A_15] : memref<100000x64xf32, #tpu.memory_space<hbm>> -> memref<100000x64xf32, #tpu.memory_space<hbm>>
    tpu.wait_indirect_dma semaphore(%arg8 : memref<!tpu.dma_semaphore, #tpu.memory_space<semaphore_mem>>) src(%dma_wait3A_16 : memref<100000x64xf32, #tpu.memory_space<hbm>>) dst(%arg7 : memref<1600x64xf32, #tpu.memory_space<vmem>>)
    "tpu.region"() ({
      %run_scoped3A = tpu.sem_alloc : memref<!tpu.dma_semaphore, #tpu.memory_space<semaphore_mem>>
      %dma_start3A_17 = arith.constant 64 : i32
      %dma_start3A_18 = tpu.memref_slice %arg5[%add3A_10, %dma_start3A_17] : memref<51200x128xf32, #tpu.memory_space<hbm>> -> memref<1600x64xf32, #tpu.memory_space<hbm>>
      %dma_start3A_19 = arith.constant 64 : i32
      %dma_start3A_20 = tpu.memref_slice %arg5[%add3A_10, %dma_start3A_19] : memref<51200x128xf32, #tpu.memory_space<hbm>> -> memref<1600x64xf32, #tpu.memory_space<hbm>>
      tpu.enqueue_dma source(%arg7 : memref<1600x64xf32, #tpu.memory_space<vmem>>) target(%dma_start3A_20 : memref<1600x64xf32, #tpu.memory_space<hbm>>) target_semaphore(%run_scoped3A : memref<!tpu.dma_semaphore, #tpu.memory_space<semaphore_mem>>)
      %dma_wait3A_21 = arith.constant 64 : i32
      %dma_wait3A_22 = tpu.memref_slice %arg5[%add3A_10, %dma_wait3A_21] : memref<51200x128xf32, #tpu.memory_space<hbm>> -> memref<1600x64xf32, #tpu.memory_space<hbm>>
      %dma_wait3A_23 = arith.constant 64 : i32
      %dma_wait3A_24 = tpu.memref_slice %arg5[%add3A_10, %dma_wait3A_23] : memref<51200x128xf32, #tpu.memory_space<hbm>> -> memref<1600x64xf32, #tpu.memory_space<hbm>>
      tpu.wait_dma2 semaphore(%run_scoped3A : memref<!tpu.dma_semaphore, #tpu.memory_space<semaphore_mem>>) src(%arg7 : memref<1600x64xf32, #tpu.memory_space<vmem>>) dst(%dma_wait3A_24 : memref<1600x64xf32, #tpu.memory_space<hbm>>)
      tpu.yield
    }) : () -> ()
    return
  }
}

module attributes {stable_mosaic.version = 14 : i64} {
  func.func @body(%arg0: i32, %arg1: memref<5000x256xf32, #tpu.memory_space<vmem>>, %arg2: memref<5000x256xf32, #tpu.memory_space<vmem>>, %arg3: memref<64x256xf32, #tpu.memory_space<vmem>>, %arg4: memref<1x64xf32, #tpu.memory_space<vmem>>, %arg5: memref<5000x128xf32, #tpu.memory_space<vmem>>) attributes {dimension_semantics = [#tpu.dimension_semantics<arbitrary>], iteration_bounds = array<i64: 10>, scalar_prefetch = 0 : i64, scratch_operands = 0 : i64, tpu.core_type = #tpu.core_type<tc>, window_params = [{transform_indices = @transform_0, window_bounds = array<i64: 5000, 256>}, {transform_indices = @transform_1, window_bounds = array<i64: 5000, 256>}, {pipeline_mode = #tpu.pipeline_mode<synchronous>, transform_indices = @transform_2, window_bounds = array<i64: 64, 256>}, {pipeline_mode = #tpu.pipeline_mode<synchronous>, transform_indices = @transform_3, window_bounds = array<i64: 1, 64>}, {transform_indices = @transform_4, window_bounds = array<i64: 5000, 128>}]} {
    %get3A = arith.constant 0 : index
    %get3A_0 = arith.constant 0 : index
    %get3A_1 = vector.load %arg1[%get3A, %get3A_0] : memref<5000x256xf32, #tpu.memory_space<vmem>>, vector<5000x256xf32>
    %get3A_2 = arith.constant 0 : index
    %get3A_3 = arith.constant 0 : index
    %get3A_4 = vector.load %arg3[%get3A_2, %get3A_3] : memref<64x256xf32, #tpu.memory_space<vmem>>, vector<64x256xf32>
    %dot_general3A = arith.constant dense<0.000000e+00> : vector<5000x64xf32>
    %dot_general3A_5 = tpu.matmul %get3A_1, %get3A_4, %dot_general3A {dimension_numbers = #tpu.dot_dimension_numbers<[1], [1], [0], [0], [0, 0, 1, 0], [], []>, transpose_lhs_hint = false} : vector<5000x256xf32>, vector<64x256xf32>, vector<5000x64xf32> -> vector<5000x64xf32>
    %get3A_6 = arith.constant 0 : index
    %get3A_7 = arith.constant 0 : index
    %get3A_8 = vector.load %arg4[%get3A_6, %get3A_7] : memref<1x64xf32, #tpu.memory_space<vmem>>, vector<1x64xf32>
    %add3A = vector.broadcast %get3A_8 : vector<1x64xf32> to vector<5000x64xf32>
    %add3A_9 = arith.addf %dot_general3A_5, %add3A : vector<5000x64xf32>
    %swap3A = arith.constant 0 : index
    %swap3A_10 = arith.constant 0 : index
    %swap3A_11 = vector.load %arg5[%swap3A, %swap3A_10] : memref<5000x128xf32, #tpu.memory_space<vmem>>, vector<5000x64xf32>
    tpu.vector_store %arg5[%swap3A, %swap3A_10], %add3A_9 {strides = array<i32>} : memref<5000x128xf32, #tpu.memory_space<vmem>>, vector<5000x64xf32>,
    %get3A_12 = arith.constant 0 : index
    %get3A_13 = arith.constant 0 : index
    %get3A_14 = vector.load %arg2[%get3A_12, %get3A_13] : memref<5000x256xf32, #tpu.memory_space<vmem>>, vector<5000x256xf32>
    %get3A_15 = arith.constant 0 : index
    %get3A_16 = arith.constant 0 : index
    %get3A_17 = vector.load %arg3[%get3A_15, %get3A_16] : memref<64x256xf32, #tpu.memory_space<vmem>>, vector<64x256xf32>
    %dot_general3A_18 = arith.constant dense<0.000000e+00> : vector<5000x64xf32>
    %dot_general3A_19 = tpu.matmul %get3A_14, %get3A_17, %dot_general3A_18 {dimension_numbers = #tpu.dot_dimension_numbers<[1], [1], [0], [0], [0, 0, 1, 0], [], []>, transpose_lhs_hint = false} : vector<5000x256xf32>, vector<64x256xf32>, vector<5000x64xf32> -> vector<5000x64xf32>
    %get3A_20 = arith.constant 0 : index
    %get3A_21 = arith.constant 0 : index
    %get3A_22 = vector.load %arg4[%get3A_20, %get3A_21] : memref<1x64xf32, #tpu.memory_space<vmem>>, vector<1x64xf32>
    %add3A_23 = vector.broadcast %get3A_22 : vector<1x64xf32> to vector<5000x64xf32>
    %add3A_24 = arith.addf %dot_general3A_19, %add3A_23 : vector<5000x64xf32>
    %swap3A_25 = arith.constant 0 : index
    %swap3A_26 = arith.constant 64 : index
    %swap3A_27 = vector.load %arg5[%swap3A_25, %swap3A_26] : memref<5000x128xf32, #tpu.memory_space<vmem>>, vector<5000x64xf32>
    tpu.vector_store %arg5[%swap3A_25, %swap3A_26], %add3A_24 {strides = array<i32>} : memref<5000x128xf32, #tpu.memory_space<vmem>>, vector<5000x64xf32>,
    return
  }
  func.func @transform_0(%arg0: i32) -> (i32, i32) {
    %c0_i32 = arith.constant 0 : i32
    %c0_i32_0 = arith.constant 0 : i32
    return %arg0, %c0_i32 : i32, i32
  }
  func.func @transform_1(%arg0: i32) -> (i32, i32) {
    %add3A = arith.constant 10 : i32
    %add3A_0 = arith.addi %arg0, %add3A : i32
    %c0_i32 = arith.constant 0 : i32
    %c0_i32_1 = arith.constant 0 : i32
    return %add3A_0, %c0_i32 : i32, i32
  }
  func.func @transform_2(%arg0: i32) -> (i32, i32) {
    %c0_i32 = arith.constant 0 : i32
    %c0_i32_0 = arith.constant 0 : i32
    %c0_i32_1 = arith.constant 0 : i32
    return %c0_i32, %c0_i32_0 : i32, i32
  }
  func.func @transform_3(%arg0: i32) -> (i32, i32) {
    %c0_i32 = arith.constant 0 : i32
    %c0_i32_0 = arith.constant 0 : i32
    %c0_i32_1 = arith.constant 0 : i32
    return %c0_i32, %c0_i32_0 : i32, i32
  }
  func.func @transform_4(%arg0: i32) -> (i32, i32) {
    %c0_i32 = arith.constant 0 : i32
    %c0_i32_0 = arith.constant 0 : i32
    return %arg0, %c0_i32 : i32, i32
  }
}

module attributes {stable_mosaic.version = 14 : i64} {
  func.func @body(%arg0: i32, %arg1: memref<10240x128xf32, #tpu.memory_space<vmem>>, %arg2: memref<64x64xf32, #tpu.memory_space<vmem>>, %arg3: memref<64x1xf32, #tpu.memory_space<vmem>>, %arg4: memref<5x64x4096xf32, #tpu.memory_space<vmem>>) attributes {dimension_semantics = [#tpu.dimension_semantics<arbitrary>], iteration_bounds = array<i64: 5>, scalar_prefetch = 0 : i64, scratch_operands = 0 : i64, tpu.core_type = #tpu.core_type<tc>, window_params = [{transform_indices = @transform_0, window_bounds = array<i64: 10240, 128>}, {pipeline_mode = #tpu.pipeline_mode<synchronous>, transform_indices = @transform_1, window_bounds = array<i64: 64, 64>}, {pipeline_mode = #tpu.pipeline_mode<synchronous>, transform_indices = @transform_2, window_bounds = array<i64: 64, 1>}, {transform_indices = @transform_3, window_bounds = array<i64: 5, 64, 4096>}]} {
    %get3A = arith.constant 0 : index
    %get3A_0 = arith.constant 0 : index
    %get3A_1 = vector.load %arg1[%get3A, %get3A_0] : memref<10240x128xf32, #tpu.memory_space<vmem>>, vector<10240x128xf32>
    %mul3A = arith.constant 5.000000e-01 : f32
    %mul3A_2 = vector.broadcast %mul3A : f32 to vector<10240x128xf32>
    %mul3A_3 = arith.mulf %get3A_1, %mul3A_2 : vector<10240x128xf32>
    %mul3A_4 = arith.constant 0.707106769 : f32
    %mul3A_5 = vector.broadcast %mul3A_4 : f32 to vector<10240x128xf32>
    %mul3A_6 = arith.mulf %get3A_1, %mul3A_5 : vector<10240x128xf32>
    %erf3A = math.erf %mul3A_6 : vector<10240x128xf32>
    %add3A = arith.constant 1.000000e+00 : f32
    %add3A_7 = vector.broadcast %add3A : f32 to vector<10240x128xf32>
    %add3A_8 = arith.addf %add3A_7, %erf3A : vector<10240x128xf32>
    %mul3A_9 = arith.mulf %mul3A_3, %add3A_8 : vector<10240x128xf32>
    %slice3A = vector.extract_strided_slice %mul3A_9 {offsets = [0, 0], sizes = [10240, 64], strides = [1, 1]} : vector<10240x128xf32> to vector<10240x64xf32>
    %get3A_10 = arith.constant 0 : index
    %get3A_11 = arith.constant 0 : index
    %get3A_12 = vector.load %arg2[%get3A_10, %get3A_11] : memref<64x64xf32, #tpu.memory_space<vmem>>, vector<64x64xf32>
    %dot_general3A = arith.constant dense<0.000000e+00> : vector<64x10240xf32>
    %dot_general3A_13 = tpu.matmul %get3A_12, %slice3A, %dot_general3A {dimension_numbers = #tpu.dot_dimension_numbers<[1], [1], [0], [0], [0, 0, 1, 0], [], []>, transpose_lhs_hint = false} : vector<64x64xf32>, vector<10240x64xf32>, vector<64x10240xf32> -> vector<64x10240xf32>
    %get3A_14 = arith.constant 0 : index
    %get3A_15 = arith.constant 0 : index
    %get3A_16 = vector.load %arg3[%get3A_14, %get3A_15] : memref<64x1xf32, #tpu.memory_space<vmem>>, vector<64x1xf32>
    %add3A_17 = vector.broadcast %get3A_16 : vector<64x1xf32> to vector<64x10240xf32>
    %add3A_18 = arith.addf %dot_general3A_13, %add3A_17 : vector<64x10240xf32>
    %slice3A_19 = vector.extract_strided_slice %mul3A_9 {offsets = [0, 64], sizes = [10240, 64], strides = [1, 1]} : vector<10240x128xf32> to vector<10240x64xf32>
    %get3A_20 = arith.constant 0 : index
    %get3A_21 = arith.constant 0 : index
    %get3A_22 = vector.load %arg2[%get3A_20, %get3A_21] : memref<64x64xf32, #tpu.memory_space<vmem>>, vector<64x64xf32>
    %dot_general3A_23 = arith.constant dense<0.000000e+00> : vector<64x10240xf32>
    %dot_general3A_24 = tpu.matmul %get3A_22, %slice3A_19, %dot_general3A_23 {dimension_numbers = #tpu.dot_dimension_numbers<[1], [1], [0], [0], [0, 0, 1, 0], [], []>, transpose_lhs_hint = false} : vector<64x64xf32>, vector<10240x64xf32>, vector<64x10240xf32> -> vector<64x10240xf32>
    %get3A_25 = arith.constant 0 : index
    %get3A_26 = arith.constant 0 : index
    %get3A_27 = vector.load %arg3[%get3A_25, %get3A_26] : memref<64x1xf32, #tpu.memory_space<vmem>>, vector<64x1xf32>
    %add3A_28 = vector.broadcast %get3A_27 : vector<64x1xf32> to vector<64x10240xf32>
    %add3A_29 = arith.addf %dot_general3A_24, %add3A_28 : vector<64x10240xf32>
    %slice3A_30 = vector.extract_strided_slice %add3A_18 {offsets = [0, 0], sizes = [64, 2048], strides = [1, 1]} : vector<64x10240xf32> to vector<64x2048xf32>
    %swap3A = arith.constant 0 : index
    %swap3A_31 = arith.constant 0 : index
    %swap3A_32 = arith.constant 0 : index
    %swap3A_33 = vector.load %arg4[%swap3A, %swap3A_31, %swap3A_32] : memref<5x64x4096xf32, #tpu.memory_space<vmem>>, vector<1x64x2048xf32>
    %swap3A_34 = vector.shape_cast %swap3A_33 : vector<1x64x2048xf32> to vector<64x2048xf32>
    %swap3A_35 = vector.shape_cast %slice3A_30 : vector<64x2048xf32> to vector<1x64x2048xf32>
    tpu.vector_store %arg4[%swap3A, %swap3A_31, %swap3A_32], %swap3A_35 {strides = array<i32>} : memref<5x64x4096xf32, #tpu.memory_space<vmem>>, vector<1x64x2048xf32>,
    %slice3A_36 = vector.extract_strided_slice %add3A_29 {offsets = [0, 0], sizes = [64, 2048], strides = [1, 1]} : vector<64x10240xf32> to vector<64x2048xf32>
    %swap3A_37 = arith.constant 0 : index
    %swap3A_38 = arith.constant 0 : index
    %swap3A_39 = arith.constant 2048 : index
    %swap3A_40 = vector.load %arg4[%swap3A_37, %swap3A_38, %swap3A_39] : memref<5x64x4096xf32, #tpu.memory_space<vmem>>, vector<1x64x2048xf32>
    %swap3A_41 = vector.shape_cast %swap3A_40 : vector<1x64x2048xf32> to vector<64x2048xf32>
    %swap3A_42 = vector.shape_cast %slice3A_36 : vector<64x2048xf32> to vector<1x64x2048xf32>
    tpu.vector_store %arg4[%swap3A_37, %swap3A_38, %swap3A_39], %swap3A_42 {strides = array<i32>} : memref<5x64x4096xf32, #tpu.memory_space<vmem>>, vector<1x64x2048xf32>,
    %slice3A_43 = vector.extract_strided_slice %add3A_18 {offsets = [0, 2048], sizes = [64, 2048], strides = [1, 1]} : vector<64x10240xf32> to vector<64x2048xf32>
    %swap3A_44 = arith.constant 1 : index
    %swap3A_45 = arith.constant 0 : index
    %swap3A_46 = arith.constant 0 : index
    %swap3A_47 = vector.load %arg4[%swap3A_44, %swap3A_45, %swap3A_46] : memref<5x64x4096xf32, #tpu.memory_space<vmem>>, vector<1x64x2048xf32>
    %swap3A_48 = vector.shape_cast %swap3A_47 : vector<1x64x2048xf32> to vector<64x2048xf32>
    %swap3A_49 = vector.shape_cast %slice3A_43 : vector<64x2048xf32> to vector<1x64x2048xf32>
    tpu.vector_store %arg4[%swap3A_44, %swap3A_45, %swap3A_46], %swap3A_49 {strides = array<i32>} : memref<5x64x4096xf32, #tpu.memory_space<vmem>>, vector<1x64x2048xf32>,
    %slice3A_50 = vector.extract_strided_slice %add3A_29 {offsets = [0, 2048], sizes = [64, 2048], strides = [1, 1]} : vector<64x10240xf32> to vector<64x2048xf32>
    %swap3A_51 = arith.constant 1 : index
    %swap3A_52 = arith.constant 0 : index
    %swap3A_53 = arith.constant 2048 : index
    %swap3A_54 = vector.load %arg4[%swap3A_51, %swap3A_52, %swap3A_53] : memref<5x64x4096xf32, #tpu.memory_space<vmem>>, vector<1x64x2048xf32>
    %swap3A_55 = vector.shape_cast %swap3A_54 : vector<1x64x2048xf32> to vector<64x2048xf32>
    %swap3A_56 = vector.shape_cast %slice3A_50 : vector<64x2048xf32> to vector<1x64x2048xf32>
    tpu.vector_store %arg4[%swap3A_51, %swap3A_52, %swap3A_53], %swap3A_56 {strides = array<i32>} : memref<5x64x4096xf32, #tpu.memory_space<vmem>>, vector<1x64x2048xf32>,
    %slice3A_57 = vector.extract_strided_slice %add3A_18 {offsets = [0, 4096], sizes = [64, 2048], strides = [1, 1]} : vector<64x10240xf32> to vector<64x2048xf32>
    %swap3A_58 = arith.constant 2 : index
    %swap3A_59 = arith.constant 0 : index
    %swap3A_60 = arith.constant 0 : index
    %swap3A_61 = vector.load %arg4[%swap3A_58, %swap3A_59, %swap3A_60] : memref<5x64x4096xf32, #tpu.memory_space<vmem>>, vector<1x64x2048xf32>
    %swap3A_62 = vector.shape_cast %swap3A_61 : vector<1x64x2048xf32> to vector<64x2048xf32>
    %swap3A_63 = vector.shape_cast %slice3A_57 : vector<64x2048xf32> to vector<1x64x2048xf32>
    tpu.vector_store %arg4[%swap3A_58, %swap3A_59, %swap3A_60], %swap3A_63 {strides = array<i32>} : memref<5x64x4096xf32, #tpu.memory_space<vmem>>, vector<1x64x2048xf32>,
    %slice3A_64 = vector.extract_strided_slice %add3A_29 {offsets = [0, 4096], sizes = [64, 2048], strides = [1, 1]} : vector<64x10240xf32> to vector<64x2048xf32>
    %swap3A_65 = arith.constant 2 : index
    %swap3A_66 = arith.constant 0 : index
    %swap3A_67 = arith.constant 2048 : index
    %swap3A_68 = vector.load %arg4[%swap3A_65, %swap3A_66, %swap3A_67] : memref<5x64x4096xf32, #tpu.memory_space<vmem>>, vector<1x64x2048xf32>
    %swap3A_69 = vector.shape_cast %swap3A_68 : vector<1x64x2048xf32> to vector<64x2048xf32>
    %swap3A_70 = vector.shape_cast %slice3A_64 : vector<64x2048xf32> to vector<1x64x2048xf32>
    tpu.vector_store %arg4[%swap3A_65, %swap3A_66, %swap3A_67], %swap3A_70 {strides = array<i32>} : memref<5x64x4096xf32, #tpu.memory_space<vmem>>, vector<1x64x2048xf32>,
    %slice3A_71 = vector.extract_strided_slice %add3A_18 {offsets = [0, 6144], sizes = [64, 2048], strides = [1, 1]} : vector<64x10240xf32> to vector<64x2048xf32>
    %swap3A_72 = arith.constant 3 : index
    %swap3A_73 = arith.constant 0 : index
    %swap3A_74 = arith.constant 0 : index
    %swap3A_75 = vector.load %arg4[%swap3A_72, %swap3A_73, %swap3A_74] : memref<5x64x4096xf32, #tpu.memory_space<vmem>>, vector<1x64x2048xf32>
    %swap3A_76 = vector.shape_cast %swap3A_75 : vector<1x64x2048xf32> to vector<64x2048xf32>
    %swap3A_77 = vector.shape_cast %slice3A_71 : vector<64x2048xf32> to vector<1x64x2048xf32>
    tpu.vector_store %arg4[%swap3A_72, %swap3A_73, %swap3A_74], %swap3A_77 {strides = array<i32>} : memref<5x64x4096xf32, #tpu.memory_space<vmem>>, vector<1x64x2048xf32>,
    %slice3A_78 = vector.extract_strided_slice %add3A_29 {offsets = [0, 6144], sizes = [64, 2048], strides = [1, 1]} : vector<64x10240xf32> to vector<64x2048xf32>
    %swap3A_79 = arith.constant 3 : index
    %swap3A_80 = arith.constant 0 : index
    %swap3A_81 = arith.constant 2048 : index
    %swap3A_82 = vector.load %arg4[%swap3A_79, %swap3A_80, %swap3A_81] : memref<5x64x4096xf32, #tpu.memory_space<vmem>>, vector<1x64x2048xf32>
    %swap3A_83 = vector.shape_cast %swap3A_82 : vector<1x64x2048xf32> to vector<64x2048xf32>
    %swap3A_84 = vector.shape_cast %slice3A_78 : vector<64x2048xf32> to vector<1x64x2048xf32>
    tpu.vector_store %arg4[%swap3A_79, %swap3A_80, %swap3A_81], %swap3A_84 {strides = array<i32>} : memref<5x64x4096xf32, #tpu.memory_space<vmem>>, vector<1x64x2048xf32>,
    %slice3A_85 = vector.extract_strided_slice %add3A_18 {offsets = [0, 8192], sizes = [64, 2048], strides = [1, 1]} : vector<64x10240xf32> to vector<64x2048xf32>
    %swap3A_86 = arith.constant 4 : index
    %swap3A_87 = arith.constant 0 : index
    %swap3A_88 = arith.constant 0 : index
    %swap3A_89 = vector.load %arg4[%swap3A_86, %swap3A_87, %swap3A_88] : memref<5x64x4096xf32, #tpu.memory_space<vmem>>, vector<1x64x2048xf32>
    %swap3A_90 = vector.shape_cast %swap3A_89 : vector<1x64x2048xf32> to vector<64x2048xf32>
    %swap3A_91 = vector.shape_cast %slice3A_85 : vector<64x2048xf32> to vector<1x64x2048xf32>
    tpu.vector_store %arg4[%swap3A_86, %swap3A_87, %swap3A_88], %swap3A_91 {strides = array<i32>} : memref<5x64x4096xf32, #tpu.memory_space<vmem>>, vector<1x64x2048xf32>,
    %slice3A_92 = vector.extract_strided_slice %add3A_29 {offsets = [0, 8192], sizes = [64, 2048], strides = [1, 1]} : vector<64x10240xf32> to vector<64x2048xf32>
    %swap3A_93 = arith.constant 4 : index
    %swap3A_94 = arith.constant 0 : index
    %swap3A_95 = arith.constant 2048 : index
    %swap3A_96 = vector.load %arg4[%swap3A_93, %swap3A_94, %swap3A_95] : memref<5x64x4096xf32, #tpu.memory_space<vmem>>, vector<1x64x2048xf32>
    %swap3A_97 = vector.shape_cast %swap3A_96 : vector<1x64x2048xf32> to vector<64x2048xf32>
    %swap3A_98 = vector.shape_cast %slice3A_92 : vector<64x2048xf32> to vector<1x64x2048xf32>
    tpu.vector_store %arg4[%swap3A_93, %swap3A_94, %swap3A_95], %swap3A_98 {strides = array<i32>} : memref<5x64x4096xf32, #tpu.memory_space<vmem>>, vector<1x64x2048xf32>,
    return
  }
  func.func @transform_0(%arg0: i32) -> (i32, i32) {
    %c0_i32 = arith.constant 0 : i32
    %c0_i32_0 = arith.constant 0 : i32
    return %arg0, %c0_i32 : i32, i32
  }
  func.func @transform_1(%arg0: i32) -> (i32, i32) {
    %c0_i32 = arith.constant 0 : i32
    %c0_i32_0 = arith.constant 0 : i32
    %c0_i32_1 = arith.constant 0 : i32
    return %c0_i32, %c0_i32_0 : i32, i32
  }
  func.func @transform_2(%arg0: i32) -> (i32, i32) {
    %c0_i32 = arith.constant 0 : i32
    %c0_i32_0 = arith.constant 0 : i32
    %c0_i32_1 = arith.constant 0 : i32
    return %c0_i32, %c0_i32_0 : i32, i32
  }
  func.func @transform_3(%arg0: i32) -> (i32, i32, i32) {
    %add3A = arith.constant 0 : i32
    %add3A_0 = arith.addi %arg0, %add3A : i32
    %c0_i32 = arith.constant 0 : i32
    %c0_i32_1 = arith.constant 0 : i32
    %c0_i32_2 = arith.constant 0 : i32
    return %add3A_0, %c0_i32, %c0_i32_1 : i32, i32, i32
  }
}

module attributes {stable_mosaic.version = 14 : i64} {
  func.func @body(%arg0: i32, %arg1: memref<10240x128xf32, #tpu.memory_space<vmem>>, %arg2: memref<64x64xf32, #tpu.memory_space<vmem>>, %arg3: memref<64x1xf32, #tpu.memory_space<vmem>>, %arg4: memref<50x64x4096xf32, #tpu.memory_space<any>>, %arg5: memref<5x64x4096xf32, #tpu.memory_space<vmem>>) attributes {dimension_semantics = [#tpu.dimension_semantics<arbitrary>], iteration_bounds = array<i64: 5>, scalar_prefetch = 0 : i64, scratch_operands = 0 : i64, tpu.core_type = #tpu.core_type<tc>, window_params = [{transform_indices = @transform_0, window_bounds = array<i64: 10240, 128>}, {pipeline_mode = #tpu.pipeline_mode<synchronous>, transform_indices = @transform_1, window_bounds = array<i64: 64, 64>}, {pipeline_mode = #tpu.pipeline_mode<synchronous>, transform_indices = @transform_2, window_bounds = array<i64: 64, 1>}, {}, {transform_indices = @transform_4, window_bounds = array<i64: 5, 64, 4096>}]} {
    %get3A = arith.constant 0 : index
    %get3A_0 = arith.constant 0 : index
    %get3A_1 = vector.load %arg1[%get3A, %get3A_0] : memref<10240x128xf32, #tpu.memory_space<vmem>>, vector<10240x128xf32>
    %mul3A = arith.constant 5.000000e-01 : f32
    %mul3A_2 = vector.broadcast %mul3A : f32 to vector<10240x128xf32>
    %mul3A_3 = arith.mulf %get3A_1, %mul3A_2 : vector<10240x128xf32>
    %mul3A_4 = arith.constant 0.707106769 : f32
    %mul3A_5 = vector.broadcast %mul3A_4 : f32 to vector<10240x128xf32>
    %mul3A_6 = arith.mulf %get3A_1, %mul3A_5 : vector<10240x128xf32>
    %erf3A = math.erf %mul3A_6 : vector<10240x128xf32>
    %add3A = arith.constant 1.000000e+00 : f32
    %add3A_7 = vector.broadcast %add3A : f32 to vector<10240x128xf32>
    %add3A_8 = arith.addf %add3A_7, %erf3A : vector<10240x128xf32>
    %mul3A_9 = arith.mulf %mul3A_3, %add3A_8 : vector<10240x128xf32>
    %slice3A = vector.extract_strided_slice %mul3A_9 {offsets = [0, 0], sizes = [10240, 64], strides = [1, 1]} : vector<10240x128xf32> to vector<10240x64xf32>
    %get3A_10 = arith.constant 0 : index
    %get3A_11 = arith.constant 0 : index
    %get3A_12 = vector.load %arg2[%get3A_10, %get3A_11] : memref<64x64xf32, #tpu.memory_space<vmem>>, vector<64x64xf32>
    %dot_general3A = arith.constant dense<0.000000e+00> : vector<64x10240xf32>
    %dot_general3A_13 = tpu.matmul %get3A_12, %slice3A, %dot_general3A {dimension_numbers = #tpu.dot_dimension_numbers<[1], [1], [0], [0], [0, 0, 1, 0], [], []>, transpose_lhs_hint = false} : vector<64x64xf32>, vector<10240x64xf32>, vector<64x10240xf32> -> vector<64x10240xf32>
    %get3A_14 = arith.constant 0 : index
    %get3A_15 = arith.constant 0 : index
    %get3A_16 = vector.load %arg3[%get3A_14, %get3A_15] : memref<64x1xf32, #tpu.memory_space<vmem>>, vector<64x1xf32>
    %add3A_17 = vector.broadcast %get3A_16 : vector<64x1xf32> to vector<64x10240xf32>
    %add3A_18 = arith.addf %dot_general3A_13, %add3A_17 : vector<64x10240xf32>
    %slice3A_19 = vector.extract_strided_slice %mul3A_9 {offsets = [0, 64], sizes = [10240, 64], strides = [1, 1]} : vector<10240x128xf32> to vector<10240x64xf32>
    %get3A_20 = arith.constant 0 : index
    %get3A_21 = arith.constant 0 : index
    %get3A_22 = vector.load %arg2[%get3A_20, %get3A_21] : memref<64x64xf32, #tpu.memory_space<vmem>>, vector<64x64xf32>
    %dot_general3A_23 = arith.constant dense<0.000000e+00> : vector<64x10240xf32>
    %dot_general3A_24 = tpu.matmul %get3A_22, %slice3A_19, %dot_general3A_23 {dimension_numbers = #tpu.dot_dimension_numbers<[1], [1], [0], [0], [0, 0, 1, 0], [], []>, transpose_lhs_hint = false} : vector<64x64xf32>, vector<10240x64xf32>, vector<64x10240xf32> -> vector<64x10240xf32>
    %get3A_25 = arith.constant 0 : index
    %get3A_26 = arith.constant 0 : index
    %get3A_27 = vector.load %arg3[%get3A_25, %get3A_26] : memref<64x1xf32, #tpu.memory_space<vmem>>, vector<64x1xf32>
    %add3A_28 = vector.broadcast %get3A_27 : vector<64x1xf32> to vector<64x10240xf32>
    %add3A_29 = arith.addf %dot_general3A_24, %add3A_28 : vector<64x10240xf32>
    %slice3A_30 = vector.extract_strided_slice %add3A_18 {offsets = [0, 0], sizes = [64, 2048], strides = [1, 1]} : vector<64x10240xf32> to vector<64x2048xf32>
    %swap3A = arith.constant 0 : index
    %swap3A_31 = arith.constant 0 : index
    %swap3A_32 = arith.constant 0 : index
    %swap3A_33 = vector.load %arg5[%swap3A, %swap3A_31, %swap3A_32] : memref<5x64x4096xf32, #tpu.memory_space<vmem>>, vector<1x64x2048xf32>
    %swap3A_34 = vector.shape_cast %swap3A_33 : vector<1x64x2048xf32> to vector<64x2048xf32>
    %swap3A_35 = vector.shape_cast %slice3A_30 : vector<64x2048xf32> to vector<1x64x2048xf32>
    tpu.vector_store %arg5[%swap3A, %swap3A_31, %swap3A_32], %swap3A_35 {strides = array<i32>} : memref<5x64x4096xf32, #tpu.memory_space<vmem>>, vector<1x64x2048xf32>,
    %slice3A_36 = vector.extract_strided_slice %add3A_29 {offsets = [0, 0], sizes = [64, 2048], strides = [1, 1]} : vector<64x10240xf32> to vector<64x2048xf32>
    %swap3A_37 = arith.constant 0 : index
    %swap3A_38 = arith.constant 0 : index
    %swap3A_39 = arith.constant 2048 : index
    %swap3A_40 = vector.load %arg5[%swap3A_37, %swap3A_38, %swap3A_39] : memref<5x64x4096xf32, #tpu.memory_space<vmem>>, vector<1x64x2048xf32>
    %swap3A_41 = vector.shape_cast %swap3A_40 : vector<1x64x2048xf32> to vector<64x2048xf32>
    %swap3A_42 = vector.shape_cast %slice3A_36 : vector<64x2048xf32> to vector<1x64x2048xf32>
    tpu.vector_store %arg5[%swap3A_37, %swap3A_38, %swap3A_39], %swap3A_42 {strides = array<i32>} : memref<5x64x4096xf32, #tpu.memory_space<vmem>>, vector<1x64x2048xf32>,
    %slice3A_43 = vector.extract_strided_slice %add3A_18 {offsets = [0, 2048], sizes = [64, 2048], strides = [1, 1]} : vector<64x10240xf32> to vector<64x2048xf32>
    %swap3A_44 = arith.constant 1 : index
    %swap3A_45 = arith.constant 0 : index
    %swap3A_46 = arith.constant 0 : index
    %swap3A_47 = vector.load %arg5[%swap3A_44, %swap3A_45, %swap3A_46] : memref<5x64x4096xf32, #tpu.memory_space<vmem>>, vector<1x64x2048xf32>
    %swap3A_48 = vector.shape_cast %swap3A_47 : vector<1x64x2048xf32> to vector<64x2048xf32>
    %swap3A_49 = vector.shape_cast %slice3A_43 : vector<64x2048xf32> to vector<1x64x2048xf32>
    tpu.vector_store %arg5[%swap3A_44, %swap3A_45, %swap3A_46], %swap3A_49 {strides = array<i32>} : memref<5x64x4096xf32, #tpu.memory_space<vmem>>, vector<1x64x2048xf32>,
    %slice3A_50 = vector.extract_strided_slice %add3A_29 {offsets = [0, 2048], sizes = [64, 2048], strides = [1, 1]} : vector<64x10240xf32> to vector<64x2048xf32>
    %swap3A_51 = arith.constant 1 : index
    %swap3A_52 = arith.constant 0 : index
    %swap3A_53 = arith.constant 2048 : index
    %swap3A_54 = vector.load %arg5[%swap3A_51, %swap3A_52, %swap3A_53] : memref<5x64x4096xf32, #tpu.memory_space<vmem>>, vector<1x64x2048xf32>
    %swap3A_55 = vector.shape_cast %swap3A_54 : vector<1x64x2048xf32> to vector<64x2048xf32>
    %swap3A_56 = vector.shape_cast %slice3A_50 : vector<64x2048xf32> to vector<1x64x2048xf32>
    tpu.vector_store %arg5[%swap3A_51, %swap3A_52, %swap3A_53], %swap3A_56 {strides = array<i32>} : memref<5x64x4096xf32, #tpu.memory_space<vmem>>, vector<1x64x2048xf32>,
    %slice3A_57 = vector.extract_strided_slice %add3A_18 {offsets = [0, 4096], sizes = [64, 2048], strides = [1, 1]} : vector<64x10240xf32> to vector<64x2048xf32>
    %swap3A_58 = arith.constant 2 : index
    %swap3A_59 = arith.constant 0 : index
    %swap3A_60 = arith.constant 0 : index
    %swap3A_61 = vector.load %arg5[%swap3A_58, %swap3A_59, %swap3A_60] : memref<5x64x4096xf32, #tpu.memory_space<vmem>>, vector<1x64x2048xf32>
    %swap3A_62 = vector.shape_cast %swap3A_61 : vector<1x64x2048xf32> to vector<64x2048xf32>
    %swap3A_63 = vector.shape_cast %slice3A_57 : vector<64x2048xf32> to vector<1x64x2048xf32>
    tpu.vector_store %arg5[%swap3A_58, %swap3A_59, %swap3A_60], %swap3A_63 {strides = array<i32>} : memref<5x64x4096xf32, #tpu.memory_space<vmem>>, vector<1x64x2048xf32>,
    %slice3A_64 = vector.extract_strided_slice %add3A_29 {offsets = [0, 4096], sizes = [64, 2048], strides = [1, 1]} : vector<64x10240xf32> to vector<64x2048xf32>
    %swap3A_65 = arith.constant 2 : index
    %swap3A_66 = arith.constant 0 : index
    %swap3A_67 = arith.constant 2048 : index
    %swap3A_68 = vector.load %arg5[%swap3A_65, %swap3A_66, %swap3A_67] : memref<5x64x4096xf32, #tpu.memory_space<vmem>>, vector<1x64x2048xf32>
    %swap3A_69 = vector.shape_cast %swap3A_68 : vector<1x64x2048xf32> to vector<64x2048xf32>
    %swap3A_70 = vector.shape_cast %slice3A_64 : vector<64x2048xf32> to vector<1x64x2048xf32>
    tpu.vector_store %arg5[%swap3A_65, %swap3A_66, %swap3A_67], %swap3A_70 {strides = array<i32>} : memref<5x64x4096xf32, #tpu.memory_space<vmem>>, vector<1x64x2048xf32>,
    %slice3A_71 = vector.extract_strided_slice %add3A_18 {offsets = [0, 6144], sizes = [64, 2048], strides = [1, 1]} : vector<64x10240xf32> to vector<64x2048xf32>
    %swap3A_72 = arith.constant 3 : index
    %swap3A_73 = arith.constant 0 : index
    %swap3A_74 = arith.constant 0 : index
    %swap3A_75 = vector.load %arg5[%swap3A_72, %swap3A_73, %swap3A_74] : memref<5x64x4096xf32, #tpu.memory_space<vmem>>, vector<1x64x2048xf32>
    %swap3A_76 = vector.shape_cast %swap3A_75 : vector<1x64x2048xf32> to vector<64x2048xf32>
    %swap3A_77 = vector.shape_cast %slice3A_71 : vector<64x2048xf32> to vector<1x64x2048xf32>
    tpu.vector_store %arg5[%swap3A_72, %swap3A_73, %swap3A_74], %swap3A_77 {strides = array<i32>} : memref<5x64x4096xf32, #tpu.memory_space<vmem>>, vector<1x64x2048xf32>,
    %slice3A_78 = vector.extract_strided_slice %add3A_29 {offsets = [0, 6144], sizes = [64, 2048], strides = [1, 1]} : vector<64x10240xf32> to vector<64x2048xf32>
    %swap3A_79 = arith.constant 3 : index
    %swap3A_80 = arith.constant 0 : index
    %swap3A_81 = arith.constant 2048 : index
    %swap3A_82 = vector.load %arg5[%swap3A_79, %swap3A_80, %swap3A_81] : memref<5x64x4096xf32, #tpu.memory_space<vmem>>, vector<1x64x2048xf32>
    %swap3A_83 = vector.shape_cast %swap3A_82 : vector<1x64x2048xf32> to vector<64x2048xf32>
    %swap3A_84 = vector.shape_cast %slice3A_78 : vector<64x2048xf32> to vector<1x64x2048xf32>
    tpu.vector_store %arg5[%swap3A_79, %swap3A_80, %swap3A_81], %swap3A_84 {strides = array<i32>} : memref<5x64x4096xf32, #tpu.memory_space<vmem>>, vector<1x64x2048xf32>,
    %slice3A_85 = vector.extract_strided_slice %add3A_18 {offsets = [0, 8192], sizes = [64, 2048], strides = [1, 1]} : vector<64x10240xf32> to vector<64x2048xf32>
    %swap3A_86 = arith.constant 4 : index
    %swap3A_87 = arith.constant 0 : index
    %swap3A_88 = arith.constant 0 : index
    %swap3A_89 = vector.load %arg5[%swap3A_86, %swap3A_87, %swap3A_88] : memref<5x64x4096xf32, #tpu.memory_space<vmem>>, vector<1x64x2048xf32>
    %swap3A_90 = vector.shape_cast %swap3A_89 : vector<1x64x2048xf32> to vector<64x2048xf32>
    %swap3A_91 = vector.shape_cast %slice3A_85 : vector<64x2048xf32> to vector<1x64x2048xf32>
    tpu.vector_store %arg5[%swap3A_86, %swap3A_87, %swap3A_88], %swap3A_91 {strides = array<i32>} : memref<5x64x4096xf32, #tpu.memory_space<vmem>>, vector<1x64x2048xf32>,
    %slice3A_92 = vector.extract_strided_slice %add3A_29 {offsets = [0, 8192], sizes = [64, 2048], strides = [1, 1]} : vector<64x10240xf32> to vector<64x2048xf32>
    %swap3A_93 = arith.constant 4 : index
    %swap3A_94 = arith.constant 0 : index
    %swap3A_95 = arith.constant 2048 : index
    %swap3A_96 = vector.load %arg5[%swap3A_93, %swap3A_94, %swap3A_95] : memref<5x64x4096xf32, #tpu.memory_space<vmem>>, vector<1x64x2048xf32>
    %swap3A_97 = vector.shape_cast %swap3A_96 : vector<1x64x2048xf32> to vector<64x2048xf32>
    %swap3A_98 = vector.shape_cast %slice3A_92 : vector<64x2048xf32> to vector<1x64x2048xf32>
    tpu.vector_store %arg5[%swap3A_93, %swap3A_94, %swap3A_95], %swap3A_98 {strides = array<i32>} : memref<5x64x4096xf32, #tpu.memory_space<vmem>>, vector<1x64x2048xf32>,
    return
  }
  func.func @transform_0(%arg0: i32) -> (i32, i32) {
    %c0_i32 = arith.constant 0 : i32
    %c0_i32_0 = arith.constant 0 : i32
    return %arg0, %c0_i32 : i32, i32
  }
  func.func @transform_1(%arg0: i32) -> (i32, i32) {
    %c0_i32 = arith.constant 0 : i32
    %c0_i32_0 = arith.constant 0 : i32
    %c0_i32_1 = arith.constant 0 : i32
    return %c0_i32, %c0_i32_0 : i32, i32
  }
  func.func @transform_2(%arg0: i32) -> (i32, i32) {
    %c0_i32 = arith.constant 0 : i32
    %c0_i32_0 = arith.constant 0 : i32
    %c0_i32_1 = arith.constant 0 : i32
    return %c0_i32, %c0_i32_0 : i32, i32
  }
  func.func @transform_4(%arg0: i32) -> (i32, i32, i32) {
    %add3A = arith.constant 5 : i32
    %add3A_0 = arith.addi %arg0, %add3A : i32
    %c0_i32 = arith.constant 0 : i32
    %c0_i32_1 = arith.constant 0 : i32
    %c0_i32_2 = arith.constant 0 : i32
    return %add3A_0, %c0_i32, %c0_i32_1 : i32, i32, i32
  }
}

</mosaic_0001>

<sc_bundles>
// kernel: kernel.10.cloned.1.call-start
scs
__scs_entry_jumppad:
0x0: {  	(pc) =	sbr.rel $0x88, $3  }
0x1: {  	(tag) =	ssettag $0x0;
	lr =	simm.s32 $0x1  }
0x2: {  	[smem:$0x3F9B] =	sst lr;
	_ =	strace $0xD0000000  }
0x3: {  	_ = 	snop  }
0x4: {  	_ = 	snop  }
0x5: {  	_ = 	snop  }
0x6: {  	_ = 	snop  }
0x7: {  	_ = 	snop  }
__scs_overlays_trampoline_lowered:
0x8: {  	[smem:$0x3FAA] =	sst s0  }
0x9: {  	[smem:$0x3FAB] =	sst s1  }
0xa: {  	[smem:$0x3FAC] =	sst s2  }
0xb: {  	[smem:$0x3FAD] =	sst s3  }
0xc: {  	[smem:$0x3FAE] =	sst s4  }
0xd: {  	[smem:$0x3FAF] =	sst s5  }
0xe: {  	[smem:$0x3FB0] =	sst s6  }
0xf: {  	[smem:$0x3FB1] =	sst s7  }
0x10: {  	[smem:$0x3FB2] =	sst s8  }
0x11: {  	[smem:$0x3FB3] =	sst s9;
	s0 =	simm.s32 @!p0 $0x0  }
0x12: {  	s1 =	sld [smem:$0x3F99];
	s0 =	simm.s32 @p0 $0x1  }
0x13: {  	[smem:$0x3FB4] =	sst s0;
	s0 =	simm.s32 @!p1 $0x0  }
0x14: {  	s2 =	sld [smem:$0x3F98];
	s0 =	simm.s32 @p1 $0x1  }
0x15: {  	[smem:$0x3FB5] =	sst s0;
	s0 =	simm.s32 @!p2 $0x0  }
0x16: {  	s3 =	sld [smem:$0x3FDB];
	s0 =	simm.s32 @p2 $0x1  }
0x17: {  	s4 =	simm.s32 $0x1BF5;
	[smem:$0x3FB7] =	sst s0  }
0x18: {  	s0 =	sld [smem:$0x3F9A];
	_ =	swait.ge [sflag:s4], $0x0  }
0x19: {  	s7 =	sld [smem:$0x3F9B]  }
0x1a: {  	s8 =	sadd.s32 $0xFFFFE003, lr  }
0x1b: {  	s9 =	sadd.s32 $0xFFFFFEF7, lr;
	s5 =	simm.s32 $0xFFFFFFFF;
	p2 =	slt.u32 s8, $0xFFFFF086  }
0x1c: {  	p1 =	slt.u32 s9, $0xF7A;
	s5 =	simm.s32 @!p2 $0x0  }
0x1d: {  	s5 =	simm.s32 @p1 $0x1;
	p0 =	seq.s32 s7, s2  }
0x1e: {  	s7 =	smul.u32 @!p0 $0xF7A, s2;
	p2 =	seq.s32 @!p0 s5, $0x0  }
0x1f: {  	s9 =	smul.u32 $0xF7A, s1;
	s8 =	simm.s32 @!p0 $0x1BF5;
	p2 =	por !p2, p0  }
0x20: {  	[sflag:s8] =	ssyncset.s32 @!p0 $0xFFFFF086;
	s6 =	sadd.s32 @!p0 s3, s7;
	s7 =	simm.s32 @!p0 $0x108  }
0x21: {  	s3 =	sadd.s32 s3, s9;
	s6 =	sadd.s32 @!p0 $0x88, s6;
	s7 =	simm.s32 @p2 $0x1082  }
0x22: {  	[simem:s7], [sflag:s8] =	dma.local @!p0 [hbm:s6], $0xF7A  }
0x23: {  	s9 =	sor.u32 $0xD0000000, s2;
	s6 =	simm.s32 $0x108;
	_ =	swait.ge @!p0 [sflag:s8], $0x0  }
0x24: {  	s3 =	sadd.s32 $0x88, s3;
	s6 =	simm.s32 @!p1 $0x1082;
	[sflag:s4] =	ssyncset.s32 $0xFFFFF086  }
0x25: {  	[simem:s6], [sflag:s4] =	dma.local [hbm:s3], $0xF7A  }
0x26: {  	[smem:$0x3F9B] =	sst s1;
	(tag) =	ssettag s2;
	_ =	strace s9  }
0x27: {  	s1 =	sld [smem:$0x3FAB]  }
0x28: {  	s2 =	sld [smem:$0x3FAC]  }
0x29: {  	s4 =	sld [smem:$0x3FAE]  }
0x2a: {  	p0 =	seq.s32 s5, $0x0;
	s5 =	sld [smem:$0x3FAF]  }
0x2b: {  	s6 =	sld [smem:$0x3FB0]  }
0x2c: {  	s7 =	sld [smem:$0x3FB1]  }
0x2d: {  	s3 =	simm.s32 $0x108;
	s8 =	sld [smem:$0x3FB2]  }
0x2e: {  	s3 =	simm.s32 @!p0 $0x1082;
	s9 =	sld [smem:$0x3FB3]  }
0x2f: {  	lr =	sadd.s32 s0, s3;
	s0 =	sld [smem:$0x3FAA]  }
0x30: {  	s3 =	sld [smem:$0x3FAD]  }
0x31: {  	[smem:$0x3FB6] =	sst s10  }
0x32: {  	s10 =	sld [smem:$0x3FB4];
	_ =	sdelay $0x3  }
0x33: {  	p0 =	seq.s32 s10, $0x1;
	s10 =	sld [smem:$0x3FB6];
	_ =	sdelay $0x3  }
0x34: {  	[smem:$0x3FB6] =	sst s10  }
0x35: {  	s10 =	sld [smem:$0x3FB5];
	_ =	sdelay $0x3  }
0x36: {  	p1 =	seq.s32 s10, $0x1;
	s10 =	sld [smem:$0x3FB6];
	_ =	sdelay $0x3  }
0x37: {  	[smem:$0x3FB6] =	sst s10  }
0x38: {  	s10 =	sld [smem:$0x3FB7]  }
0x39: {  	_ = 	snop;
	(pc) =	sbr.ind lr, $3  }
0x3a: {  	_ = 	snop  }
0x3b: {  	_ = 	snop  }
0x3c: {  	p2 =	seq.s32 s10, $0x1;
	s10 =	sld [smem:$0x3FB6]  }
0x3d: {  	_ =	shalt  }
0x3e: {  	_ =	shalt  }
0x3f: {  	_ =	shalt  }
0x40: {  	_ =	shalt  }
0x41: {  	_ =	shalt  }
0x42: {  	_ =	shalt  }
0x43: {  	_ =	shalt  }
0x44: {  	_ =	shalt  }
0x45: {  	_ =	shalt  }
0x46: {  	_ =	shalt  }
0x47: {  	_ =	shalt  }
0x48: {  	_ =	shalt  }
0x49: {  	_ =	shalt  }
0x4a: {  	_ =	shalt  }
0x4b: {  	_ =	shalt  }
0x4c: {  	_ =	shalt  }
0x4d: {  	_ =	shalt  }
0x4e: {  	_ =	shalt  }
0x4f: {  	_ =	shalt  }
0x50: {  	_ =	shalt  }
0x51: {  	_ =	shalt  }
0x52: {  	_ =	shalt  }
0x53: {  	_ =	shalt  }
0x54: {  	_ =	shalt  }
0x55: {  	_ =	shalt  }
0x56: {  	_ =	shalt  }
0x57: {  	_ =	shalt  }
0x58: {  	_ =	shalt  }
0x59: {  	_ =	shalt  }
0x5a: {  	_ =	shalt  }
0x5b: {  	_ =	shalt  }
0x5c: {  	_ =	shalt  }
0x5d: {  	_ =	shalt  }
0x5e: {  	_ =	shalt  }
0x5f: {  	_ =	shalt  }
0x60: {  	_ =	shalt  }
0x61: {  	_ =	shalt  }
0x62: {  	_ =	shalt  }
0x63: {  	_ =	shalt  }
0x64: {  	_ =	shalt  }
0x65: {  	_ =	shalt  }
0x66: {  	_ =	shalt  }
0x67: {  	_ =	shalt  }
0x68: {  	_ =	shalt  }
0x69: {  	_ =	shalt  }
0x6a: {  	_ =	shalt  }
0x6b: {  	_ =	shalt  }
0x6c: {  	_ =	shalt  }
0x6d: {  	_ =	shalt  }
0x6e: {  	_ =	shalt  }
0x6f: {  	_ =	shalt  }
0x70: {  	_ =	shalt  }
0x71: {  	_ =	shalt  }
0x72: {  	_ =	shalt  }
0x73: {  	_ =	shalt  }
0x74: {  	_ =	shalt  }
0x75: {  	_ =	shalt  }
0x76: {  	_ =	shalt  }
0x77: {  	_ =	shalt  }
0x78: {  	_ =	shalt  }
0x79: {  	_ =	shalt  }
0x7a: {  	_ =	shalt  }
0x7b: {  	_ =	shalt  }
0x7c: {  	_ =	shalt  }
0x7d: {  	_ =	shalt  }
0x7e: {  	_ =	shalt  }
0x7f: {  	_ =	shalt  }
0x80: {  	_ =	shalt  }
0x81: {  	_ =	shalt  }
0x82: {  	_ =	shalt  }
0x83: {  	_ =	shalt  }
0x84: {  	_ =	shalt  }
0x85: {  	_ =	shalt  }
0x86: {  	_ =	shalt  }
0x87: {  	_ =	shalt  }
.Lfunc_end0:
.L_simem_size_0:
called_computation.1_lowered:
.L_overlay_start_0:
0x88: {  	s2 =	sld [smem:$0x3FD9]  }
0x89: {  	s3 =	sld [smem:$0x3FFE];
	_ =	sdelay $0x1  }
0x8a: {  	s1 =	srdreg.scid  }
0x8b: {  	s0 =	sand.u32 $0x1, s1  }
0x8c: {  	s17 =	sshll.u32 s0, $0xA;
	s2 =	sadd.s32 s3, s2  }
0x8d: {  	s2 =	sadd.s32 s2, s17  }
0x8e: {  	[smem:$0x3FC2] =	sst s2  }
0x8f: {  	_ = 	snop  }
0x90: {  	(tm) =	ssettm $0x1  }
0x91: {  	s18 =	sld [smem:$0x3FFB];
	_ =	sdelay $0x3  }
0x92: {  	_ =	strace s18  }
0x93: {  	s2 =	sld [smem:$0x3FFC];
	_ =	sdelay $0x3  }
0x94: {  	_ =	strace s2  }
0x95: {  	s2 =	sld [smem:$0x3FFD];
	_ =	sdelay $0x3  }
0x96: {  	_ =	strace s2  }
0x97: {  	_ =	strace $0x8FFFFFFF  }
0x98: {  	s19 =	sld [smem:$0x3FDB];
	_ =	sdelay $0x1  }
0x99: {  	s20 =	simm.s32 $_scs_section_size  }
0x9a: {  	s4 =	simm.s32 $_size__tile_overlayer_lowered;
	s5 =	simm.s32 $_tile_overlayer_lowered  }
0x9b: {  	s6 =	simm.s32 $0x1BFF;
	s21 =	sshll.u32 s5, $0x1;
	s3 =	sadd.s32 s20, s19  }
0x9c: {  	s22 =	simm.s32 $0x0;
	s4 =	sshll.u32 s4, $0x1;
	s5 =	sadd.s32 s21, s3  }
0x9d: {  	[timem:s22], [sflag:s6] =	dma.local [hbm:s5], s4  }
0x9e: {  	_ =	swait.ge [sflag:s6], s4  }
0x9f: {  	s4 =	ssub.s32 $0x0, s4;
	[sflag:s6] =	ssyncset.done $0x0  }
0xa0: {  	[sflag:s6] =	ssyncadd.s32 s4;
	_ =	sdelay $0x1  }
0xa1: {  	s23 =	simm.s32 $0x1B8B  }
0xa2: {  	_ =	swait.ge [sflag:s23], $0x1  }
0xa3: {  	[sflag:s23] =	ssyncset.done $0x0  }
0xa4: {  	[sflag:s23] =	ssyncadd.s32 $0xFFFFFFFF  }
0xa5: {  	s4 =	sld [smem:$0x0]  }
0xa6: {  	s5 =	sand.u32 $0xFFFFFFFE, s1  }
0xa7: {  	p0 =	sne.s32 s1, s5  }
0xa8: {  	s5 =	sshll.u32 @p0 s5, $0xE  }
0xa9: {  	s5 =	sadd.s32 @p0 $0x11B8D, s5;
	s6 =	sshll.u32 @p0 s4, $0x11  }
0xaa: {  	s5 =	sor.u32 @p0 s6, s5  }
0xab: {  	[sflag:s5] =	ssyncadd.remote.s32 @p0 $0x1;
	_ =	sdelay $0x1  }
0xac: {  	s5 =	simm.s32 @p0 $0x1B8D  }
0xad: {  	_ =	swait.eq @p0 [sflag:s5], $0x1  }
0xae: {  	[sflag:s5] =	ssyncadd.s32 @p0 $0xFFFFFFFF  }
0xaf: {  	s6 =	sshll.u32 @!p0 s1, $0xE  }
0xb0: {  	s6 =	sor.u32 @!p0 $0x4000, s6;
	s5 =	simm.s32 @!p0 $0x1B8D  }
0xb1: {  	s4 =	sshll.u32 @!p0 s4, $0x11;
	s6 =	sadd.s32 @!p0 $0x11B8D, s6;
	_ =	swait.eq @!p0 [sflag:s5], $0x1  }
0xb2: {  	s4 =	sor.u32 @!p0 s4, s6;
	[sflag:s5] =	ssyncadd.s32 @!p0 $0xFFFFFFFF  }
0xb3: {  	s25 =	simm.s32 $0x1B8E;
	s24 =	sld [smem:$0x3FFE];
	[sflag:s4] =	ssyncadd.remote.s32 @!p0 $0x1  }
0xb4: {  	s26 =	simm.s32 $execute0_lowered;
	[smem:$0x3FD2] =	sst s25  }
0xb5: {  	s5 =	sshll.u32 s26, $0x1;
	_ =	strace $0x80000049;
	[dreg:$0x1] =	wrdreg $0xFFFFFFFF  }
0xb6: {  	s28 =	simm.s32 $_size_execute0_lowered;
	s3 =	sadd.s32 s3, s5;
	[dreg:$0x0] =	wrdreg $0x0  }
0xb7: {  	s5 =	sshll.u32 s28, $0x1;
	[dreg:$0x2] =	wrdreg s3  }
0xb8: {  	[dreg:$0x3] =	wrdreg s5  }
0xb9: {  	[dreg:$0x4] =	wrdreg $0xC0  }
0xba: {  	_ =	task [dreg:s22], $0x5FFFF  }
0xbb: {  	[dreg:$0x1] =	wrdreg $0xFFFFFFFF  }
0xbc: {  	[dreg:$0x0] =	wrdreg $0x60  }
0xbd: {  	[dreg:$0x2] =	wrdreg s24  }
0xbe: {  	[dreg:$0x3] =	wrdreg $0xA  }
0xbf: {  	_ =	task.clear_ibuf [dreg:s22], $0x4FFFF;
	_ =	strace $0x90000049  }
0xc0: {  	s29 =	simm.s32 $0xA;
	_ =	strace $0x8000004B  }
0xc1: {  	_ =	swait.ge [sflag:s29], $0x1  }
0xc2: {  	[sflag:s29] =	ssyncadd.s32 $0xFFFFFFFF  }
0xc3: {  	_ =	strace $0x9000004B  }
0xc4: {  	_ =	sfence  }
0xc5: {  	s30 =	sld [smem:$0x0];
	_ =	sdelay $0x2  }
0xc6: {  	s31 =	sshll.u32 s1, $0xD;
	s1 =	sshrl.u32 s1, $0x2  }
0xc7: {  	s4 =	sand.u32 $0x4000, s31;
	s1 =	sadd.s32 s1, s30  }
0xc8: {  	s0 =	sor.u32 s4, s0;
	s1 =	sshll.u32 s1, $0x11  }
0xc9: {  	s0 =	sor.u32 s1, s0  }
0xca: {  	s0 =	sadd.s32 $0x8F2B, s0  }
0xcb: {  	[sflag:s0] =	ssyncadd.remote.s32 $0x1  }
0xcc: {  	_ =	sfence.sel $0xFFFF  }
0xcd: {  	[dreg:$0x0] =	wrdreg $0xFFFFFFFF;
	(pc) =	sbr.abs _section_cstart, $3  }
0xce: {  	[dreg:$0x1] =	wrdreg $0xFFFFFFFF  }
0xcf: {  	_ =	task.clear_ibuf [dreg:s22], $0x2FFFF;
	_ =	strace $0x9FFFFFFF  }
0xd0: {  	(tm) =	ssettm $0x7FFFFFFF  }
0xd1: {  	_ =	shalt  }
tec
execute0_lowered:
.L_overlay_start_1:
0x0: {  	(tag) =	ssettag $0x1  }
0x1: {  	s1 =	srdreg.scid;
	s0 =	stileid.u32  }
0x2: {  	s12 =	sand.u32 $0x1, s1;
	s30 =	sshll.u32 s0, $0x1  }
0x3: {  	s6 =	sor.u32 s12, s30  }
0x4: {  	s8 =	rddreg [dreg:$0x0];
	s3 =	smul.u32 $0xC8, s6  }
0x5: {  	s2 =	simm.s32 $0x0;
	s1 =	rddreg [dreg:$0x1]  }
0x6: {  	[smem:$0x7FF] =	sst s2;
	s11 =	sadd.s32 s3, s8  }
0x7: {  	_ =	strace $0x8000004A;
	s3 =	simm.s32 $0x2;
	s4 =	sadd.s32 $0x18FE00, s11  }
0x8: {  	[tilespmem:s2], [sflag:$0x2] =	stream.linear.gather [hbm4b:s4+s2], $0x640, $0x38;
	[tilespmem:$0x19640] =	vst v63  }
0x9: {  	_ =	swait.ge [sflag:s3], $0x640  }
0xa: {  	s7 =	simm.s32 $0x1;
	s5 =	sadd.s32 $0x2E00, s8;
	[sflag:s3] =	ssyncset.done $0x0  }
0xb: {  	s9 =	smul.u32 $0x6400, s6;
	s6 =	simm.s32 $0x640;
	[sflag:s3] =	ssyncadd.s32 $0xFFFFF9C0  }
0xc: {  	[tilespmem:s6], [sflag:$0x1] =	stream.indirect.gather [hbm4b:s5+s6], $0x40, s2, s6, $0xb8;
	[tilespmem:$0x19640] =	vst v63  }
0xd: {  	_ =	swait.ge [sflag:s7], $0x19000  }
0xe: {  	s10 =	simm.s32 $0x80;
	s13 =	sadd.s32 s9, s8;
	[sflag:s7] =	ssyncset.done $0x0  }
0xf: {  	s9 =	simm.s32 $0x40;
	s8 =	sadd.s32 $0x191800, s13;
	[sflag:s7] =	ssyncadd.s32 $0xFFFE7000  }
0x10: {  	[hbm4b:s8+s9] =	stream.strided.scatter [tilespmem:s6], [sflag:$0x2], $0x19000, s10, s9, $0x38;
	[tilespmem:$0x19640] =	vst v63  }
0x11: {  	_ =	swait.ge [sflag:s3], $0x19000  }
0x12: {  	[sflag:s3] =	ssyncset.done $0x0  }
0x13: {  	s12 =	ssub.s32 $0x2, s12;
	s11 =	sadd.s32 $0x18E400, s11;
	[sflag:s3] =	ssyncadd.s32 $0xFFFE7000  }
0x14: {  	[tilespmem:s2], [sflag:$0x2] =	stream.linear.gather [hbm4b:s11+s2], $0x640, $0x38;
	[tilespmem:$0x19640] =	vst v63  }
0x15: {  	s14 =	sshrl.u32 s12, $0x1;
	_ =	swait.ge [sflag:s3], $0x640  }
0x16: {  	s14 =	ssub.s32 s12, s14;
	[sflag:s3] =	ssyncset.done $0x0  }
0x17: {  	s31 =	smax.u32 s14, $0x1;
	[sflag:s3] =	ssyncadd.s32 $0xFFFFF9C0  }
0x18: {  	[tilespmem:s6], [sflag:$0x1] =	stream.indirect.gather [hbm4b:s5+s6], $0x40, s2, s6, $0xb8;
	[tilespmem:$0x19640] =	vst v63  }
0x19: {  	p0 =	sne.s32 s31, $0x1;
	_ =	swait.ge [sflag:s7], $0x19000  }
.Ltmp0:
0x1a: {  	[sflag:s7] =	ssyncset.done $0x0;
	(pc) =	sbr.rel @!p0 .LBB2_2-.Ltmp0, $4  }
0x1b: {  	s12 =	sadd.s32 $0x191808, s13;
	[sflag:s7] =	ssyncadd.s32 $0xFFFE7000  }
0x1c: {  	[hbm4b:s12+s9] =	stream.strided.scatter [tilespmem:s6], [sflag:$0x2], $0x19000, s10, s9, $0x38;
	[tilespmem:$0x19640] =	vst v63  }
0x1d: {  	_ =	swait.ge [sflag:s3], $0x19000  }
0x1e: {  	s13 =	sadd.s32 $0xFFFFFFFF, s31;
	[sflag:s3] =	ssyncset.done $0x0  }
.LBB2_1:
0x1f: {  	p0 =	sne.s32 s13, $0x1;
	s13 =	sadd.s32 $0xFFFFFFFF, s13;
	[sflag:s3] =	ssyncadd.s32 $0xFFFE7000  }
0x20: {  	[tilespmem:s2], [sflag:$0x2] =	stream.linear.gather [hbm4b:s4+s2], $0x640, $0x38;
	[tilespmem:$0x19640] =	vst v63  }
0x21: {  	_ =	swait.ge [sflag:s3], $0x640  }
0x22: {  	[sflag:s3] =	ssyncset.done $0x0  }
0x23: {  	[sflag:s3] =	ssyncadd.s32 $0xFFFFF9C0  }
0x24: {  	[tilespmem:s6], [sflag:$0x1] =	stream.indirect.gather [hbm4b:s5+s6], $0x40, s2, s6, $0xb8;
	[tilespmem:$0x19640] =	vst v63  }
0x25: {  	_ =	swait.ge [sflag:s7], $0x19000  }
0x26: {  	[sflag:s7] =	ssyncset.done $0x0  }
0x27: {  	[sflag:s7] =	ssyncadd.s32 $0xFFFE7000  }
0x28: {  	[hbm4b:s8+s9] =	stream.strided.scatter [tilespmem:s6], [sflag:$0x2], $0x19000, s10, s9, $0x38;
	[tilespmem:$0x19640] =	vst v63  }
0x29: {  	_ =	swait.ge [sflag:s3], $0x19000  }
0x2a: {  	[sflag:s3] =	ssyncset.done $0x0  }
0x2b: {  	[sflag:s3] =	ssyncadd.s32 $0xFFFE7000  }
0x2c: {  	[tilespmem:s2], [sflag:$0x2] =	stream.linear.gather [hbm4b:s11+s2], $0x640, $0x38;
	[tilespmem:$0x19640] =	vst v63  }
0x2d: {  	_ =	swait.ge [sflag:s3], $0x640  }
0x2e: {  	[sflag:s3] =	ssyncset.done $0x0  }
0x2f: {  	[sflag:s3] =	ssyncadd.s32 $0xFFFFF9C0  }
0x30: {  	[tilespmem:s6], [sflag:$0x1] =	stream.indirect.gather [hbm4b:s5+s6], $0x40, s2, s6, $0xb8;
	[tilespmem:$0x19640] =	vst v63  }
0x31: {  	_ =	swait.ge [sflag:s7], $0x19000  }
.Ltmp1:
0x32: {  	[sflag:s7] =	ssyncset.done $0x0;
	(pc) =	sbr.rel @p0 .LBB2_1-.Ltmp1, $4  }
0x33: {  	[sflag:s7] =	ssyncadd.s32 $0xFFFE7000  }
0x34: {  	[hbm4b:s12+s9] =	stream.strided.scatter [tilespmem:s6], [sflag:$0x2], $0x19000, s10, s9, $0x38;
	[tilespmem:$0x19640] =	vst v63  }
0x35: {  	_ =	swait.ge [sflag:s3], $0x19000  }
0x36: {  	[sflag:s3] =	ssyncset.done $0x0  }
.LBB2_2:
0x37: {  	[sflag:s3] =	ssyncadd.s32 $0xFFFE7000  }
0x38: {  	_ =	sfence.sel $0x180000  }
0x39: {  	[bflag:$0x0] =	sbarrier.arrive $0xFFFF  }
0x3a: {  	p0 =	sne.s32 s0, $0x0;
	_ =	strace $0x9000004A  }
0x3b: {  	s0 =	sadd.s32 @!p0 $0x100000, s1;
	[bflag:$0x2] =	sbarrier.arrive $0xFFFF  }
0x3c: {  	[sflag:s0] =	ssyncadd.tile.s32 @!p0 $0x1;
	_ =	shalt  }
.Lfunc_end2:
_tile_overlayer_lowered:
.L_overlay_start_2:
0x3d: {  	(tag) =	ssettag $0x2  }
0x3e: {  	s0 =	rddreg [dreg:$0x0];
	s2 =	stileid.u32  }
0x3f: {  	s1 =	rddreg [dreg:$0x1];
	p0 =	sne.s32 s2, $0x0  }
0x40: {  	s3 =	rddreg [dreg:$0x2];
	[bflag:$0x3] =	sbarrier.arrive $0xFFFF;
	s2 =	simm.s32 @!p0 $0x1C02  }
0x41: {  	[timem:s3], [sflag:s2] =	dma.local @!p0 [hbm:s0], s1  }
0x42: {  	s0 =	simm.s32 @!p0 $0x2  }
0x43: {  	_ =	swait.ge @!p0 [sflag:s0], s1  }
0x44: {  	s1 =	ssub.s32 @!p0 $0x0, s1;
	[sflag:s0] =	ssyncset.done @!p0 $0x0  }
0x45: {  	[sflag:s0] =	ssyncadd.s32 @!p0 s1  }
0x46: {  	[bflag:$0x3] =	sbarrier.arrive $0xFFFF  }
0x47: {  	_ =	shalt  }

// kernel: kernel.7.cloned.1.call-start
scs
__scs_entry_jumppad:
0x0: {  	(pc) =	sbr.rel $0x88, $3  }
0x1: {  	(tag) =	ssettag $0x0;
	lr =	simm.s32 $0x1  }
0x2: {  	[smem:$0x3F9B] =	sst lr;
	_ =	strace $0xD0000000  }
0x3: {  	_ = 	snop  }
0x4: {  	_ = 	snop  }
0x5: {  	_ = 	snop  }
0x6: {  	_ = 	snop  }
0x7: {  	_ = 	snop  }
__scs_overlays_trampoline_lowered:
0x8: {  	[smem:$0x3FAA] =	sst s0  }
0x9: {  	[smem:$0x3FAB] =	sst s1  }
0xa: {  	[smem:$0x3FAC] =	sst s2  }
0xb: {  	[smem:$0x3FAD] =	sst s3  }
0xc: {  	[smem:$0x3FAE] =	sst s4  }
0xd: {  	[smem:$0x3FAF] =	sst s5  }
0xe: {  	[smem:$0x3FB0] =	sst s6  }
0xf: {  	[smem:$0x3FB1] =	sst s7  }
0x10: {  	[smem:$0x3FB2] =	sst s8  }
0x11: {  	[smem:$0x3FB3] =	sst s9;
	s0 =	simm.s32 @!p0 $0x0  }
0x12: {  	s1 =	sld [smem:$0x3F99];
	s0 =	simm.s32 @p0 $0x1  }
0x13: {  	[smem:$0x3FB4] =	sst s0;
	s0 =	simm.s32 @!p1 $0x0  }
0x14: {  	s2 =	sld [smem:$0x3F98];
	s0 =	simm.s32 @p1 $0x1  }
0x15: {  	[smem:$0x3FB5] =	sst s0;
	s0 =	simm.s32 @!p2 $0x0  }
0x16: {  	s3 =	sld [smem:$0x3FDB];
	s0 =	simm.s32 @p2 $0x1  }
0x17: {  	s4 =	simm.s32 $0x1BF5;
	[smem:$0x3FB7] =	sst s0  }
0x18: {  	s0 =	sld [smem:$0x3F9A];
	_ =	swait.ge [sflag:s4], $0x0  }
0x19: {  	s7 =	sld [smem:$0x3F9B]  }
0x1a: {  	s8 =	sadd.s32 $0xFFFFE003, lr  }
0x1b: {  	s9 =	sadd.s32 $0xFFFFFEF7, lr;
	s5 =	simm.s32 $0xFFFFFFFF;
	p2 =	slt.u32 s8, $0xFFFFF086  }
0x1c: {  	p1 =	slt.u32 s9, $0xF7A;
	s5 =	simm.s32 @!p2 $0x0  }
0x1d: {  	s5 =	simm.s32 @p1 $0x1;
	p0 =	seq.s32 s7, s2  }
0x1e: {  	s7 =	smul.u32 @!p0 $0xF7A, s2;
	p2 =	seq.s32 @!p0 s5, $0x0  }
0x1f: {  	s9 =	smul.u32 $0xF7A, s1;
	s8 =	simm.s32 @!p0 $0x1BF5;
	p2 =	por !p2, p0  }
0x20: {  	[sflag:s8] =	ssyncset.s32 @!p0 $0xFFFFF086;
	s6 =	sadd.s32 @!p0 s3, s7;
	s7 =	simm.s32 @!p0 $0x108  }
0x21: {  	s3 =	sadd.s32 s3, s9;
	s6 =	sadd.s32 @!p0 $0x88, s6;
	s7 =	simm.s32 @p2 $0x1082  }
0x22: {  	[simem:s7], [sflag:s8] =	dma.local @!p0 [hbm:s6], $0xF7A  }
0x23: {  	s9 =	sor.u32 $0xD0000000, s2;
	s6 =	simm.s32 $0x108;
	_ =	swait.ge @!p0 [sflag:s8], $0x0  }
0x24: {  	s3 =	sadd.s32 $0x88, s3;
	s6 =	simm.s32 @!p1 $0x1082;
	[sflag:s4] =	ssyncset.s32 $0xFFFFF086  }
0x25: {  	[simem:s6], [sflag:s4] =	dma.local [hbm:s3], $0xF7A  }
0x26: {  	[smem:$0x3F9B] =	sst s1;
	(tag) =	ssettag s2;
	_ =	strace s9  }
0x27: {  	s1 =	sld [smem:$0x3FAB]  }
0x28: {  	s2 =	sld [smem:$0x3FAC]  }
0x29: {  	s4 =	sld [smem:$0x3FAE]  }
0x2a: {  	p0 =	seq.s32 s5, $0x0;
	s5 =	sld [smem:$0x3FAF]  }
0x2b: {  	s6 =	sld [smem:$0x3FB0]  }
0x2c: {  	s7 =	sld [smem:$0x3FB1]  }
0x2d: {  	s3 =	simm.s32 $0x108;
	s8 =	sld [smem:$0x3FB2]  }
0x2e: {  	s3 =	simm.s32 @!p0 $0x1082;
	s9 =	sld [smem:$0x3FB3]  }
0x2f: {  	lr =	sadd.s32 s0, s3;
	s0 =	sld [smem:$0x3FAA]  }
0x30: {  	s3 =	sld [smem:$0x3FAD]  }
0x31: {  	[smem:$0x3FB6] =	sst s10  }
0x32: {  	s10 =	sld [smem:$0x3FB4];
	_ =	sdelay $0x3  }
0x33: {  	p0 =	seq.s32 s10, $0x1;
	s10 =	sld [smem:$0x3FB6];
	_ =	sdelay $0x3  }
0x34: {  	[smem:$0x3FB6] =	sst s10  }
0x35: {  	s10 =	sld [smem:$0x3FB5];
	_ =	sdelay $0x3  }
0x36: {  	p1 =	seq.s32 s10, $0x1;
	s10 =	sld [smem:$0x3FB6];
	_ =	sdelay $0x3  }
0x37: {  	[smem:$0x3FB6] =	sst s10  }
0x38: {  	s10 =	sld [smem:$0x3FB7]  }
0x39: {  	_ = 	snop;
	(pc) =	sbr.ind lr, $3  }
0x3a: {  	_ = 	snop  }
0x3b: {  	_ = 	snop  }
0x3c: {  	p2 =	seq.s32 s10, $0x1;
	s10 =	sld [smem:$0x3FB6]  }
0x3d: {  	_ =	shalt  }
0x3e: {  	_ =	shalt  }
0x3f: {  	_ =	shalt  }
0x40: {  	_ =	shalt  }
0x41: {  	_ =	shalt  }
0x42: {  	_ =	shalt  }
0x43: {  	_ =	shalt  }
0x44: {  	_ =	shalt  }
0x45: {  	_ =	shalt  }
0x46: {  	_ =	shalt  }
0x47: {  	_ =	shalt  }
0x48: {  	_ =	shalt  }
0x49: {  	_ =	shalt  }
0x4a: {  	_ =	shalt  }
0x4b: {  	_ =	shalt  }
0x4c: {  	_ =	shalt  }
0x4d: {  	_ =	shalt  }
0x4e: {  	_ =	shalt  }
0x4f: {  	_ =	shalt  }
0x50: {  	_ =	shalt  }
0x51: {  	_ =	shalt  }
0x52: {  	_ =	shalt  }
0x53: {  	_ =	shalt  }
0x54: {  	_ =	shalt  }
0x55: {  	_ =	shalt  }
0x56: {  	_ =	shalt  }
0x57: {  	_ =	shalt  }
0x58: {  	_ =	shalt  }
0x59: {  	_ =	shalt  }
0x5a: {  	_ =	shalt  }
0x5b: {  	_ =	shalt  }
0x5c: {  	_ =	shalt  }
0x5d: {  	_ =	shalt  }
0x5e: {  	_ =	shalt  }
0x5f: {  	_ =	shalt  }
0x60: {  	_ =	shalt  }
0x61: {  	_ =	shalt  }
0x62: {  	_ =	shalt  }
0x63: {  	_ =	shalt  }
0x64: {  	_ =	shalt  }
0x65: {  	_ =	shalt  }
0x66: {  	_ =	shalt  }
0x67: {  	_ =	shalt  }
0x68: {  	_ =	shalt  }
0x69: {  	_ =	shalt  }
0x6a: {  	_ =	shalt  }
0x6b: {  	_ =	shalt  }
0x6c: {  	_ =	shalt  }
0x6d: {  	_ =	shalt  }
0x6e: {  	_ =	shalt  }
0x6f: {  	_ =	shalt  }
0x70: {  	_ =	shalt  }
0x71: {  	_ =	shalt  }
0x72: {  	_ =	shalt  }
0x73: {  	_ =	shalt  }
0x74: {  	_ =	shalt  }
0x75: {  	_ =	shalt  }
0x76: {  	_ =	shalt  }
0x77: {  	_ =	shalt  }
0x78: {  	_ =	shalt  }
0x79: {  	_ =	shalt  }
0x7a: {  	_ =	shalt  }
0x7b: {  	_ =	shalt  }
0x7c: {  	_ =	shalt  }
0x7d: {  	_ =	shalt  }
0x7e: {  	_ =	shalt  }
0x7f: {  	_ =	shalt  }
0x80: {  	_ =	shalt  }
0x81: {  	_ =	shalt  }
0x82: {  	_ =	shalt  }
0x83: {  	_ =	shalt  }
0x84: {  	_ =	shalt  }
0x85: {  	_ =	shalt  }
0x86: {  	_ =	shalt  }
0x87: {  	_ =	shalt  }
.Lfunc_end0:
.L_simem_size_0:
called_computation_lowered:
.L_overlay_start_0:
0x88: {  	s2 =	sld [smem:$0x3FD9]  }
0x89: {  	s3 =	sld [smem:$0x3FFE];
	_ =	sdelay $0x1  }
0x8a: {  	s1 =	srdreg.scid  }
0x8b: {  	s0 =	sand.u32 $0x1, s1  }
0x8c: {  	s17 =	sshll.u32 s0, $0xA;
	s2 =	sadd.s32 s3, s2  }
0x8d: {  	s2 =	sadd.s32 s2, s17  }
0x8e: {  	[smem:$0x3FC2] =	sst s2  }
0x8f: {  	_ = 	snop  }
0x90: {  	s2 =	sld [smem:$0x3FD0];
	(tm) =	ssettm $0x1  }
0x91: {  	s18 =	sld [smem:$0x3FFB];
	_ =	sdelay $0x3  }
0x92: {  	_ =	strace s18  }
0x93: {  	s3 =	sld [smem:$0x3FFC];
	_ =	sdelay $0x3  }
0x94: {  	_ =	strace s3  }
0x95: {  	s3 =	sld [smem:$0x3FFD];
	_ =	sdelay $0x3  }
0x96: {  	_ =	strace s3  }
0x97: {  	_ =	strace $0x8FFFFFFF  }
0x98: {  	s19 =	sld [smem:$0x3FDB];
	_ =	sdelay $0x1  }
0x99: {  	s4 =	simm.s32 $_scs_section_size  }
0x9a: {  	s5 =	simm.s32 $_size__tile_overlayer_lowered;
	s6 =	simm.s32 $_tile_overlayer_lowered  }
0x9b: {  	s22 =	simm.s32 $0x1BFF;
	s21 =	sshll.u32 s6, $0x1;
	s3 =	sadd.s32 s4, s19  }
0x9c: {  	s7 =	simm.s32 $0x0;
	s20 =	sshll.u32 s5, $0x1;
	s5 =	sadd.s32 s21, s3  }
0x9d: {  	[timem:s7], [sflag:s22] =	dma.local [hbm:s5], s20  }
0x9e: {  	_ =	swait.ge [sflag:s22], s20  }
0x9f: {  	s4 =	ssub.s32 $0x0, s20;
	[sflag:s22] =	ssyncset.done $0x0  }
0xa0: {  	[sflag:s22] =	ssyncadd.s32 s4;
	_ =	sdelay $0x1  }
0xa1: {  	s23 =	simm.s32 $0x1B8B  }
0xa2: {  	_ =	swait.ge [sflag:s23], $0x1  }
0xa3: {  	[sflag:s23] =	ssyncset.done $0x0  }
0xa4: {  	s25 =	simm.s32 $0x1B8E;
	s24 =	sld [smem:$0x3FFE];
	[sflag:s23] =	ssyncadd.s32 $0xFFFFFFFF  }
0xa5: {  	s26 =	simm.s32 $execute0_lowered;
	[smem:$0x3FD2] =	sst s25  }
0xa6: {  	s5 =	sshll.u32 s26, $0x1;
	_ =	strace $0x80000046;
	[dreg:$0x1] =	wrdreg $0xFFFFFFFF  }
0xa7: {  	s28 =	simm.s32 $_size_execute0_lowered;
	s3 =	sadd.s32 s3, s5;
	[dreg:$0x0] =	wrdreg $0x0  }
0xa8: {  	s5 =	sshll.u32 s28, $0x1;
	[dreg:$0x2] =	wrdreg s3  }
0xa9: {  	[dreg:$0x3] =	wrdreg s5  }
0xaa: {  	[dreg:$0x4] =	wrdreg $0xC0  }
0xab: {  	_ =	task [dreg:s7], $0x5FFFF  }
0xac: {  	[dreg:$0x1] =	wrdreg $0xFFFFFFFF  }
0xad: {  	[dreg:$0x0] =	wrdreg $0x60  }
0xae: {  	[dreg:$0x2] =	wrdreg s24  }
0xaf: {  	[dreg:$0x3] =	wrdreg s2  }
0xb0: {  	[dreg:$0x4] =	wrdreg $0x9  }
0xb1: {  	_ =	task.clear_ibuf [dreg:s7], $0x5FFFF;
	_ =	strace $0x90000046  }
0xb2: {  	s29 =	simm.s32 $0x9;
	_ =	strace $0x80000048  }
0xb3: {  	_ =	swait.ge [sflag:s29], $0x1  }
0xb4: {  	[sflag:s29] =	ssyncadd.s32 $0xFFFFFFFF  }
0xb5: {  	_ =	strace $0x90000048  }
0xb6: {  	_ =	sfence  }
0xb7: {  	s30 =	sld [smem:$0x0];
	_ =	sdelay $0x2  }
0xb8: {  	s31 =	sshll.u32 s1, $0xD;
	s1 =	sshrl.u32 s1, $0x2  }
0xb9: {  	s3 =	sand.u32 $0x4000, s31;
	s1 =	sadd.s32 s1, s30  }
0xba: {  	s0 =	sor.u32 s3, s0;
	s1 =	sshll.u32 s1, $0x11  }
0xbb: {  	s0 =	sor.u32 s1, s0  }
0xbc: {  	s0 =	sadd.s32 $0x8F2B, s0  }
0xbd: {  	[sflag:s0] =	ssyncadd.remote.s32 $0x1  }
0xbe: {  	_ =	sfence.sel $0xFFFF  }
0xbf: {  	[dreg:$0x0] =	wrdreg $0xFFFFFFFF;
	(pc) =	sbr.abs _section_cstart, $3  }
0xc0: {  	[dreg:$0x1] =	wrdreg $0xFFFFFFFF  }
0xc1: {  	_ =	task.clear_ibuf [dreg:s7], $0x2FFFF;
	_ =	strace $0x9FFFFFFF  }
0xc2: {  	(tm) =	ssettm $0x7FFFFFFF  }
0xc3: {  	_ =	shalt  }
tec
execute0_lowered:
.L_overlay_start_1:
0x0: {  	(tag) =	ssettag $0x1  }
0x1: {  	s1 =	srdreg.scid;
	s0 =	stileid.u32  }
0x2: {  	s11 =	rddreg [dreg:$0x0];
	s12 =	sand.u32 $0x1, s1;
	s30 =	sshll.u32 s0, $0x1  }
0x3: {  	s3 =	rddreg [dreg:$0x1];
	s6 =	sor.u32 s12, s30  }
0x4: {  	s2 =	simm.s32 $0x0;
	s1 =	rddreg [dreg:$0x2];
	s13 =	smul.u32 $0xC8, s6  }
0x5: {  	[smem:$0x7FF] =	sst s2  }
0x6: {  	_ =	strace $0x80000047;
	s4 =	sadd.s32 s3, s13;
	s3 =	simm.s32 $0x2  }
0x7: {  	[tilespmem:s2], [sflag:$0x2] =	stream.linear.gather [hbm4b:s4+s2], $0x640, $0x38;
	[tilespmem:$0x19640] =	vst v63  }
0x8: {  	_ =	swait.ge [sflag:s3], $0x640  }
0x9: {  	s7 =	simm.s32 $0x1;
	s5 =	sadd.s32 $0x2E00, s11;
	[sflag:s3] =	ssyncset.done $0x0  }
0xa: {  	s8 =	smul.u32 $0x6400, s6;
	s6 =	simm.s32 $0x640;
	[sflag:s3] =	ssyncadd.s32 $0xFFFFF9C0  }
0xb: {  	[tilespmem:s6], [sflag:$0x1] =	stream.indirect.gather [hbm4b:s5+s6], $0x40, s2, s6, $0xb8;
	[tilespmem:$0x19640] =	vst v63  }
0xc: {  	_ =	swait.ge [sflag:s7], $0x19000  }
0xd: {  	s9 =	simm.s32 $0x40;
	s14 =	sadd.s32 s8, s11;
	[sflag:s7] =	ssyncset.done $0x0  }
0xe: {  	s10 =	simm.s32 $0x80;
	s8 =	sadd.s32 $0xC6400, s14;
	[sflag:s7] =	ssyncadd.s32 $0xFFFE7000  }
0xf: {  	[hbm4b:s8+s9] =	stream.strided.scatter [tilespmem:s6], [sflag:$0x2], $0x19000, s10, s9, $0x38;
	[tilespmem:$0x19640] =	vst v63  }
0x10: {  	_ =	swait.ge [sflag:s3], $0x19000  }
0x11: {  	s11 =	sadd.s32 s13, s11;
	[sflag:s3] =	ssyncset.done $0x0  }
0x12: {  	s12 =	ssub.s32 $0x2, s12;
	s11 =	sadd.s32 $0x1400, s11;
	[sflag:s3] =	ssyncadd.s32 $0xFFFE7000  }
0x13: {  	[tilespmem:s2], [sflag:$0x2] =	stream.linear.gather [hbm4b:s11+s2], $0x640, $0x38;
	[tilespmem:$0x19640] =	vst v63  }
0x14: {  	s31 =	sshrl.u32 s12, $0x1;
	_ =	swait.ge [sflag:s3], $0x640  }
0x15: {  	s13 =	ssub.s32 s12, s31;
	[sflag:s3] =	ssyncset.done $0x0  }
0x16: {  	s13 =	smax.u32 s13, $0x1;
	[sflag:s3] =	ssyncadd.s32 $0xFFFFF9C0  }
0x17: {  	[tilespmem:s6], [sflag:$0x1] =	stream.indirect.gather [hbm4b:s5+s6], $0x40, s2, s6, $0xb8;
	[tilespmem:$0x19640] =	vst v63  }
0x18: {  	p0 =	sne.s32 s13, $0x1;
	_ =	swait.ge [sflag:s7], $0x19000  }
.Ltmp0:
0x19: {  	[sflag:s7] =	ssyncset.done $0x0;
	(pc) =	sbr.rel @!p0 .LBB2_2-.Ltmp0, $4  }
0x1a: {  	s12 =	sadd.s32 $0xC6408, s14;
	[sflag:s7] =	ssyncadd.s32 $0xFFFE7000  }
0x1b: {  	[hbm4b:s12+s9] =	stream.strided.scatter [tilespmem:s6], [sflag:$0x2], $0x19000, s10, s9, $0x38;
	[tilespmem:$0x19640] =	vst v63  }
0x1c: {  	_ =	swait.ge [sflag:s3], $0x19000  }
0x1d: {  	s13 =	sadd.s32 $0xFFFFFFFF, s13;
	[sflag:s3] =	ssyncset.done $0x0  }
.LBB2_1:
0x1e: {  	p0 =	sne.s32 s13, $0x1;
	s13 =	sadd.s32 $0xFFFFFFFF, s13;
	[sflag:s3] =	ssyncadd.s32 $0xFFFE7000  }
0x1f: {  	[tilespmem:s2], [sflag:$0x2] =	stream.linear.gather [hbm4b:s4+s2], $0x640, $0x38;
	[tilespmem:$0x19640] =	vst v63  }
0x20: {  	_ =	swait.ge [sflag:s3], $0x640  }
0x21: {  	[sflag:s3] =	ssyncset.done $0x0  }
0x22: {  	[sflag:s3] =	ssyncadd.s32 $0xFFFFF9C0  }
0x23: {  	[tilespmem:s6], [sflag:$0x1] =	stream.indirect.gather [hbm4b:s5+s6], $0x40, s2, s6, $0xb8;
	[tilespmem:$0x19640] =	vst v63  }
0x24: {  	_ =	swait.ge [sflag:s7], $0x19000  }
0x25: {  	[sflag:s7] =	ssyncset.done $0x0  }
0x26: {  	[sflag:s7] =	ssyncadd.s32 $0xFFFE7000  }
0x27: {  	[hbm4b:s8+s9] =	stream.strided.scatter [tilespmem:s6], [sflag:$0x2], $0x19000, s10, s9, $0x38;
	[tilespmem:$0x19640] =	vst v63  }
0x28: {  	_ =	swait.ge [sflag:s3], $0x19000  }
0x29: {  	[sflag:s3] =	ssyncset.done $0x0  }
0x2a: {  	[sflag:s3] =	ssyncadd.s32 $0xFFFE7000  }
0x2b: {  	[tilespmem:s2], [sflag:$0x2] =	stream.linear.gather [hbm4b:s11+s2], $0x640, $0x38;
	[tilespmem:$0x19640] =	vst v63  }
0x2c: {  	_ =	swait.ge [sflag:s3], $0x640  }
0x2d: {  	[sflag:s3] =	ssyncset.done $0x0  }
0x2e: {  	[sflag:s3] =	ssyncadd.s32 $0xFFFFF9C0  }
0x2f: {  	[tilespmem:s6], [sflag:$0x1] =	stream.indirect.gather [hbm4b:s5+s6], $0x40, s2, s6, $0xb8;
	[tilespmem:$0x19640] =	vst v63  }
0x30: {  	_ =	swait.ge [sflag:s7], $0x19000  }
.Ltmp1:
0x31: {  	[sflag:s7] =	ssyncset.done $0x0;
	(pc) =	sbr.rel @p0 .LBB2_1-.Ltmp1, $4  }
0x32: {  	[sflag:s7] =	ssyncadd.s32 $0xFFFE7000  }
0x33: {  	[hbm4b:s12+s9] =	stream.strided.scatter [tilespmem:s6], [sflag:$0x2], $0x19000, s10, s9, $0x38;
	[tilespmem:$0x19640] =	vst v63  }
0x34: {  	_ =	swait.ge [sflag:s3], $0x19000  }
0x35: {  	[sflag:s3] =	ssyncset.done $0x0  }
.LBB2_2:
0x36: {  	[sflag:s3] =	ssyncadd.s32 $0xFFFE7000  }
0x37: {  	_ =	sfence.sel $0x180000  }
0x38: {  	[bflag:$0x0] =	sbarrier.arrive $0xFFFF  }
0x39: {  	p0 =	sne.s32 s0, $0x0;
	_ =	strace $0x90000047  }
0x3a: {  	s0 =	sadd.s32 @!p0 $0x100000, s1;
	[bflag:$0x2] =	sbarrier.arrive $0xFFFF  }
0x3b: {  	[sflag:s0] =	ssyncadd.tile.s32 @!p0 $0x1;
	_ =	shalt  }
.Lfunc_end2:
_tile_overlayer_lowered:
.L_overlay_start_2:
0x3c: {  	(tag) =	ssettag $0x2  }
0x3d: {  	s0 =	rddreg [dreg:$0x0];
	s2 =	stileid.u32  }
0x3e: {  	s1 =	rddreg [dreg:$0x1];
	p0 =	sne.s32 s2, $0x0  }
0x3f: {  	s3 =	rddreg [dreg:$0x2];
	[bflag:$0x3] =	sbarrier.arrive $0xFFFF;
	s2 =	simm.s32 @!p0 $0x1C02  }
0x40: {  	[timem:s3], [sflag:s2] =	dma.local @!p0 [hbm:s0], s1  }
0x41: {  	s0 =	simm.s32 @!p0 $0x2  }
0x42: {  	_ =	swait.ge @!p0 [sflag:s0], s1  }
0x43: {  	s1 =	ssub.s32 @!p0 $0x0, s1;
	[sflag:s0] =	ssyncset.done @!p0 $0x0  }
0x44: {  	[sflag:s0] =	ssyncadd.s32 @!p0 s1  }
0x45: {  	[bflag:$0x3] =	sbarrier.arrive $0xFFFF  }
0x46: {  	_ =	shalt  }

</sc_bundles>
